<compile_context>
chip_gen: v7x
topology: tpu7x:2x2x1
jax: 0.10.2.dev20260603
libtpu: 0.0.44.dev20260713+nightly
codegen_flags: <defaults>
</compile_context>

<pallas_src>
import functools

import jax
import jax.numpy as jnp
from jax import lax
from jax.experimental import pallas as pl
from jax.experimental.pallas import tpu as pltpu
from jax.experimental.pallas import tpu_sc as plsc

EMBED = 64
NC = 2
NS = 16
NW = NC * NS
CHUNK = 128
LANES = 16
NSETS = 2
ROW_OFF = (0, 12, 43, 67)
TOT_ROWS = 74
OUT_D = 5 * EMBED
UNROLL = 4


def _sc_body(per_w, n_chunks, ctx_hbm, wm, wd, wh, ww, wpos, out_hbm,
             ctx_v, asm_v, tab_v, crow_v, sem):
    wid = lax.axis_index("s") * NC + lax.axis_index("c")
    base_w = wid * per_w
    tables = [wm, wd, wh, ww]
    nrows = (12, 31, 24, 7)

    pltpu.sync_copy(ctx_hbm.at[pl.ds(base_w * 5, per_w * 5)], ctx_v)
    for t in range(4):
        pltpu.sync_copy(tables[t],
                        tab_v.at[pl.ds(ROW_OFF[t] * EMBED, nrows[t] * EMBED)])
    pltpu.sync_copy(wpos.at[pl.ds(0, EMBED)], crow_v)

    crow = [crow_v[pl.ds(l * LANES, LANES)] for l in range(EMBED // LANES)]

    def fill_body(r, carry):
        for l in range(EMBED // LANES):
            asm_v[pl.ds(r * OUT_D + 4 * EMBED + l * LANES, LANES)] = crow[l]
        return carry

    lax.fori_loop(0, NSETS * CHUNK, fill_body, 0)

    iota = lax.iota(jnp.int32, LANES)

    def chunk_body(c, carry):
        sbase = (c % NSETS) * CHUNK

        @pl.when(c >= NSETS)
        def _():
            pltpu.make_async_copy(
                asm_v.at[pl.ds(0, CHUNK * OUT_D)],
                out_hbm.at[pl.ds(0, CHUNK * OUT_D)], sem).wait()

        @plsc.parallel_loop(0, CHUNK, step=1, unroll=UNROLL)
        def pos_body(p):
            src = c * CHUNK + p
            dbase = (sbase + p) * OUT_D
            v16 = plsc.load_gather(ctx_v, [iota + (src * 5)])
            for t in range(4):
                r = v16[t + 1]
                rb = r * EMBED + ROW_OFF[t] * EMBED
                db = dbase + t * EMBED
                for l in range(EMBED // LANES):
                    asm_v[pl.ds(db + l * LANES, LANES)] = \
                        tab_v[pl.ds(rb + l * LANES, LANES)]

        pltpu.async_copy(
            asm_v.at[pl.ds(sbase * OUT_D, CHUNK * OUT_D)],
            out_hbm.at[pl.ds((base_w + c * CHUNK) * OUT_D, CHUNK * OUT_D)],
            sem)
        return carry

    lax.fori_loop(0, n_chunks, chunk_body, 0)

    for _ in range(min(NSETS, n_chunks)):
        pltpu.make_async_copy(
            asm_v.at[pl.ds(0, CHUNK * OUT_D)],
            out_hbm.at[pl.ds(0, CHUNK * OUT_D)], sem).wait()


def kernel(context, y, W_month, W_day, W_hour, W_dow, W_pos):
    del y
    Bc, Nc, _ = context.shape
    M = Bc * Nc
    NCALLS = 2
    mh = M // NCALLS
    assert mh % (NW * CHUNK) == 0
    per_w = mh // NW
    n_chunks = per_w // CHUNK
    ctx = context.reshape(M * 5).astype(jnp.int32)

    mesh = plsc.VectorSubcoreMesh(core_axis_name="c", subcore_axis_name="s")
    f32 = jnp.float32
    run = pl.kernel(
        functools.partial(_sc_body, per_w, n_chunks),
        out_type=jax.ShapeDtypeStruct((mh * OUT_D,), f32),
        mesh=mesh,
        scratch_types=[
            pltpu.VMEM((per_w * 5,), jnp.int32),
            pltpu.VMEM((NSETS * CHUNK * OUT_D,), f32),
            pltpu.VMEM((TOT_ROWS * EMBED,), f32),
            pltpu.VMEM((EMBED,), f32),
            pltpu.SemaphoreType.DMA,
        ],
        compiler_params=pltpu.CompilerParams(use_tc_tiling_on_sc=False,
                                             needs_layout_passes=False),
    )
    ws = (W_month.astype(f32).reshape(-1), W_day.astype(f32).reshape(-1),
          W_hour.astype(f32).reshape(-1), W_dow.astype(f32).reshape(-1),
          W_pos.astype(f32).reshape(-1))
    parts = [run(lax.dynamic_slice_in_dim(ctx, k * mh * 5, mh * 5), *ws)
             for k in range(NCALLS)]
    out = jnp.concatenate(parts, axis=0)
    return out.reshape(Bc, Nc, OUT_D)

# --- scband reference (transcript-rebuilt; emitter-appended) ---
"""Pipeline reference for scband-embedding-40587440947545 (READ-ONLY COPY).

The authoritative reference and input builder live on the scoring server;
editing this copy changes nothing except your own understanding.
"""

import jax, jax.numpy as jnp
import numpy as np

B = 4096
N = 50
EMBED = 64

def setup_inputs(seed: int = 0) -> dict:
    key = jax.random.key(seed)
    ks = jax.random.split(key, 8)
    # index values in [0, 7) are in-range for all calendar tables (month=12, day=31, hour=24, dow=7)
    context = jax.random.randint(ks[0], (B, N, 5), 0, 7)
    y = jax.random.normal(ks[1], (B, N), dtype=jnp.float32)
    W_month = jax.random.normal(ks[2], (12, EMBED), dtype=jnp.float32) * 0.02
    W_day = jax.random.normal(ks[3], (31, EMBED), dtype=jnp.float32) * 0.02
    W_hour = jax.random.normal(ks[4], (24, EMBED), dtype=jnp.float32) * 0.02
    W_dow = jax.random.normal(ks[5], (7, EMBED), dtype=jnp.float32) * 0.02
    W_pos = jax.random.normal(ks[6], (N, EMBED), dtype=jnp.float32) * 0.02
    return {"context": context, "y": y, "W_month": W_month, "W_day": W_day, "W_hour": W_hour, "W_dow": W_dow, "W_pos": W_pos}

def reference(context, y, W_month, W_day, W_hour, W_dow, W_pos):
    Bc = context.shape[0]
    Nc = context.shape[1]
    # faithful to torch: positions = arange(N).repeat(N_bs, batch_size, 1); positions[:, :, 0]
    # with N_bs = min(bs, B) = B and batch_size = N (required for concat shape compatibility)
    positions = jnp.broadcast_to(jnp.arange(Nc)[None, None, :], (Bc, Nc, Nc))
    pos_idx = positions[:, :, 0]
    embm = jnp.take(W_month, context[:, :, 1], axis=0)
    embd = jnp.take(W_day, context[:, :, 2], axis=0)
    embh = jnp.take(W_hour, context[:, :, 3], axis=0)
    embw = jnp.take(W_dow, context[:, :, 4], axis=0)
    embp = jnp.take(W_pos, pos_idx, axis=0)
    emb = jnp.concatenate((embm, embd, embh, embw, embp), axis=2)
    assert 5 * EMBED == emb.shape[2]
    return emb

if __name__ == "__main__":
    import jax
    _d = setup_inputs()
    print(jax.jit(kernel)(*tuple(_d.values())))

</pallas_src>

<mosaic_0001>
#map = affine_map<(d0, d1) -> (0)>
module attributes {stable_mosaic.version = 14 : i64} {
  func.func @_sc_body(%arg0: i32, %arg1: i32, %arg2: memref<512000xi32, #tpu.memory_space<hbm>>, %arg3: memref<768xf32, #tpu.memory_space<hbm>>, %arg4: memref<1984xf32, #tpu.memory_space<hbm>>, %arg5: memref<1536xf32, #tpu.memory_space<hbm>>, %arg6: memref<448xf32, #tpu.memory_space<hbm>>, %arg7: memref<3200xf32, #tpu.memory_space<hbm>>, %arg8: memref<32768000xf32, #tpu.memory_space<hbm>>, %arg9: memref<16000xi32, #tpu.memory_space<vmem>>, %arg10: memref<81920xf32, #tpu.memory_space<vmem>>, %arg11: memref<4736xf32, #tpu.memory_space<vmem>>, %arg12: memref<64xf32, #tpu.memory_space<vmem>>, %arg13: memref<!tpu.dma_semaphore, #tpu.memory_space<semaphore_mem>>) attributes {dimension_semantics = [#tpu.dimension_semantics<core_parallel>, #tpu.dimension_semantics<subcore_parallel>], iteration_bounds = array<i64: 2, 16>, scalar_prefetch = 0 : i64, scratch_operands = 5 : i64, tpu.core_type = #tpu.core_type<sc_vector_subcore>, window_params = [{transform_indices = #map}, {transform_indices = #map}, {transform_indices = #map}, {transform_indices = #map}, {transform_indices = #map}, {transform_indices = #map}, {transform_indices = #map}]} {
    %mul3A = arith.constant 2 : i32
    %mul3A_0 = arith.muli %arg1, %mul3A : i32
    %add3A = arith.addi %mul3A_0, %arg0 : i32
    %mul3A_1 = arith.constant 3200 : i32
    %mul3A_2 = arith.muli %add3A, %mul3A_1 : i32
    %mul3A_3 = arith.constant 5 : i32
    %mul3A_4 = arith.muli %mul3A_2, %mul3A_3 : i32
    "tpu.region"() ({
      %run_scoped3A = tpu.sem_alloc : memref<!tpu.dma_semaphore, #tpu.memory_space<semaphore_mem>>
      %dma_start3A = tpu.memref_slice %arg2[%mul3A_4] : memref<512000xi32, #tpu.memory_space<hbm>> -> memref<16000xi32, #tpu.memory_space<hbm>>
      %dma_start3A_38 = tpu.memref_slice %arg2[%mul3A_4] : memref<512000xi32, #tpu.memory_space<hbm>> -> memref<16000xi32, #tpu.memory_space<hbm>>
      tpu.enqueue_dma source(%dma_start3A_38 : memref<16000xi32, #tpu.memory_space<hbm>>) target(%arg9 : memref<16000xi32, #tpu.memory_space<vmem>>) target_semaphore(%run_scoped3A : memref<!tpu.dma_semaphore, #tpu.memory_space<semaphore_mem>>)
      %dma_wait3A_39 = tpu.memref_slice %arg2[%mul3A_4] : memref<512000xi32, #tpu.memory_space<hbm>> -> memref<16000xi32, #tpu.memory_space<hbm>>
      %dma_wait3A_40 = tpu.memref_slice %arg2[%mul3A_4] : memref<512000xi32, #tpu.memory_space<hbm>> -> memref<16000xi32, #tpu.memory_space<hbm>>
      tpu.wait_dma2 semaphore(%run_scoped3A : memref<!tpu.dma_semaphore, #tpu.memory_space<semaphore_mem>>) src(%dma_wait3A_40 : memref<16000xi32, #tpu.memory_space<hbm>>) dst(%arg9 : memref<16000xi32, #tpu.memory_space<vmem>>)
      tpu.yield
    }) : () -> ()
    "tpu.region"() ({
      %run_scoped3A = tpu.sem_alloc : memref<!tpu.dma_semaphore, #tpu.memory_space<semaphore_mem>>
      %dma_start3A = arith.constant 0 : i32
      %dma_start3A_38 = tpu.memref_slice %arg11[%dma_start3A] : memref<4736xf32, #tpu.memory_space<vmem>> -> memref<768xf32, #tpu.memory_space<vmem>>
      %dma_start3A_39 = arith.constant 0 : i32
      %dma_start3A_40 = tpu.memref_slice %arg11[%dma_start3A_39] : memref<4736xf32, #tpu.memory_space<vmem>> -> memref<768xf32, #tpu.memory_space<vmem>>
      tpu.enqueue_dma source(%arg3 : memref<768xf32, #tpu.memory_space<hbm>>) target(%dma_start3A_40 : memref<768xf32, #tpu.memory_space<vmem>>) target_semaphore(%run_scoped3A : memref<!tpu.dma_semaphore, #tpu.memory_space<semaphore_mem>>)
      %dma_wait3A_41 = arith.constant 0 : i32
      %dma_wait3A_42 = tpu.memref_slice %arg11[%dma_wait3A_41] : memref<4736xf32, #tpu.memory_space<vmem>> -> memref<768xf32, #tpu.memory_space<vmem>>
      %dma_wait3A_43 = arith.constant 0 : i32
      %dma_wait3A_44 = tpu.memref_slice %arg11[%dma_wait3A_43] : memref<4736xf32, #tpu.memory_space<vmem>> -> memref<768xf32, #tpu.memory_space<vmem>>
      tpu.wait_dma2 semaphore(%run_scoped3A : memref<!tpu.dma_semaphore, #tpu.memory_space<semaphore_mem>>) src(%arg3 : memref<768xf32, #tpu.memory_space<hbm>>) dst(%dma_wait3A_44 : memref<768xf32, #tpu.memory_space<vmem>>)
      tpu.yield
    }) : () -> ()
    "tpu.region"() ({
      %run_scoped3A = tpu.sem_alloc : memref<!tpu.dma_semaphore, #tpu.memory_space<semaphore_mem>>
      %dma_start3A = arith.constant 768 : i32
      %dma_start3A_38 = tpu.memref_slice %arg11[%dma_start3A] : memref<4736xf32, #tpu.memory_space<vmem>> -> memref<1984xf32, #tpu.memory_space<vmem>>
      %dma_start3A_39 = arith.constant 768 : i32
      %dma_start3A_40 = tpu.memref_slice %arg11[%dma_start3A_39] : memref<4736xf32, #tpu.memory_space<vmem>> -> memref<1984xf32, #tpu.memory_space<vmem>>
      tpu.enqueue_dma source(%arg4 : memref<1984xf32, #tpu.memory_space<hbm>>) target(%dma_start3A_40 : memref<1984xf32, #tpu.memory_space<vmem>>) target_semaphore(%run_scoped3A : memref<!tpu.dma_semaphore, #tpu.memory_space<semaphore_mem>>)
      %dma_wait3A_41 = arith.constant 768 : i32
      %dma_wait3A_42 = tpu.memref_slice %arg11[%dma_wait3A_41] : memref<4736xf32, #tpu.memory_space<vmem>> -> memref<1984xf32, #tpu.memory_space<vmem>>
      %dma_wait3A_43 = arith.constant 768 : i32
      %dma_wait3A_44 = tpu.memref_slice %arg11[%dma_wait3A_43] : memref<4736xf32, #tpu.memory_space<vmem>> -> memref<1984xf32, #tpu.memory_space<vmem>>
      tpu.wait_dma2 semaphore(%run_scoped3A : memref<!tpu.dma_semaphore, #tpu.memory_space<semaphore_mem>>) src(%arg4 : memref<1984xf32, #tpu.memory_space<hbm>>) dst(%dma_wait3A_44 : memref<1984xf32, #tpu.memory_space<vmem>>)
      tpu.yield
    }) : () -> ()
    "tpu.region"() ({
      %run_scoped3A = tpu.sem_alloc : memref<!tpu.dma_semaphore, #tpu.memory_space<semaphore_mem>>
      %dma_start3A = arith.constant 2752 : i32
      %dma_start3A_38 = tpu.memref_slice %arg11[%dma_start3A] : memref<4736xf32, #tpu.memory_space<vmem>> -> memref<1536xf32, #tpu.memory_space<vmem>>
      %dma_start3A_39 = arith.constant 2752 : i32
      %dma_start3A_40 = tpu.memref_slice %arg11[%dma_start3A_39] : memref<4736xf32, #tpu.memory_space<vmem>> -> memref<1536xf32, #tpu.memory_space<vmem>>
      tpu.enqueue_dma source(%arg5 : memref<1536xf32, #tpu.memory_space<hbm>>) target(%dma_start3A_40 : memref<1536xf32, #tpu.memory_space<vmem>>) target_semaphore(%run_scoped3A : memref<!tpu.dma_semaphore, #tpu.memory_space<semaphore_mem>>)
      %dma_wait3A_41 = arith.constant 2752 : i32
      %dma_wait3A_42 = tpu.memref_slice %arg11[%dma_wait3A_41] : memref<4736xf32, #tpu.memory_space<vmem>> -> memref<1536xf32, #tpu.memory_space<vmem>>
      %dma_wait3A_43 = arith.constant 2752 : i32
      %dma_wait3A_44 = tpu.memref_slice %arg11[%dma_wait3A_43] : memref<4736xf32, #tpu.memory_space<vmem>> -> memref<1536xf32, #tpu.memory_space<vmem>>
      tpu.wait_dma2 semaphore(%run_scoped3A : memref<!tpu.dma_semaphore, #tpu.memory_space<semaphore_mem>>) src(%arg5 : memref<1536xf32, #tpu.memory_space<hbm>>) dst(%dma_wait3A_44 : memref<1536xf32, #tpu.memory_space<vmem>>)
      tpu.yield
    }) : () -> ()
    "tpu.region"() ({
      %run_scoped3A = tpu.sem_alloc : memref<!tpu.dma_semaphore, #tpu.memory_space<semaphore_mem>>
      %dma_start3A = arith.constant 4288 : i32
      %dma_start3A_38 = tpu.memref_slice %arg11[%dma_start3A] : memref<4736xf32, #tpu.memory_space<vmem>> -> memref<448xf32, #tpu.memory_space<vmem>>
      %dma_start3A_39 = arith.constant 4288 : i32
      %dma_start3A_40 = tpu.memref_slice %arg11[%dma_start3A_39] : memref<4736xf32, #tpu.memory_space<vmem>> -> memref<448xf32, #tpu.memory_space<vmem>>
      tpu.enqueue_dma source(%arg6 : memref<448xf32, #tpu.memory_space<hbm>>) target(%dma_start3A_40 : memref<448xf32, #tpu.memory_space<vmem>>) target_semaphore(%run_scoped3A : memref<!tpu.dma_semaphore, #tpu.memory_space<semaphore_mem>>)
      %dma_wait3A_41 = arith.constant 4288 : i32
      %dma_wait3A_42 = tpu.memref_slice %arg11[%dma_wait3A_41] : memref<4736xf32, #tpu.memory_space<vmem>> -> memref<448xf32, #tpu.memory_space<vmem>>
      %dma_wait3A_43 = arith.constant 4288 : i32
      %dma_wait3A_44 = tpu.memref_slice %arg11[%dma_wait3A_43] : memref<4736xf32, #tpu.memory_space<vmem>> -> memref<448xf32, #tpu.memory_space<vmem>>
      tpu.wait_dma2 semaphore(%run_scoped3A : memref<!tpu.dma_semaphore, #tpu.memory_space<semaphore_mem>>) src(%arg6 : memref<448xf32, #tpu.memory_space<hbm>>) dst(%dma_wait3A_44 : memref<448xf32, #tpu.memory_space<vmem>>)
      tpu.yield
    }) : () -> ()
    "tpu.region"() ({
      %run_scoped3A = tpu.sem_alloc : memref<!tpu.dma_semaphore, #tpu.memory_space<semaphore_mem>>
      %dma_start3A = arith.constant 0 : i32
      %dma_start3A_38 = tpu.memref_slice %arg7[%dma_start3A] : memref<3200xf32, #tpu.memory_space<hbm>> -> memref<64xf32, #tpu.memory_space<hbm>>
      %dma_start3A_39 = arith.constant 0 : i32
      %dma_start3A_40 = tpu.memref_slice %arg7[%dma_start3A_39] : memref<3200xf32, #tpu.memory_space<hbm>> -> memref<64xf32, #tpu.memory_space<hbm>>
      tpu.enqueue_dma source(%dma_start3A_40 : memref<64xf32, #tpu.memory_space<hbm>>) target(%arg12 : memref<64xf32, #tpu.memory_space<vmem>>) target_semaphore(%run_scoped3A : memref<!tpu.dma_semaphore, #tpu.memory_space<semaphore_mem>>)
      %dma_wait3A_41 = arith.constant 0 : i32
      %dma_wait3A_42 = tpu.memref_slice %arg7[%dma_wait3A_41] : memref<3200xf32, #tpu.memory_space<hbm>> -> memref<64xf32, #tpu.memory_space<hbm>>
      %dma_wait3A_43 = arith.constant 0 : i32
      %dma_wait3A_44 = tpu.memref_slice %arg7[%dma_wait3A_43] : memref<3200xf32, #tpu.memory_space<hbm>> -> memref<64xf32, #tpu.memory_space<hbm>>
      tpu.wait_dma2 semaphore(%run_scoped3A : memref<!tpu.dma_semaphore, #tpu.memory_space<semaphore_mem>>) src(%dma_wait3A_44 : memref<64xf32, #tpu.memory_space<hbm>>) dst(%arg12 : memref<64xf32, #tpu.memory_space<vmem>>)
      tpu.yield
    }) : () -> ()
    %get3A = arith.constant 0 : index
    %get3A_5 = tpu.vector_load %arg12[%get3A] {strides = array<i32>} : memref<64xf32, #tpu.memory_space<vmem>>, vector<16xf32>,
    %get3A_6 = arith.constant 16 : index
    %get3A_7 = tpu.vector_load %arg12[%get3A_6] {strides = array<i32>} : memref<64xf32, #tpu.memory_space<vmem>>, vector<16xf32>,
    %get3A_8 = arith.constant 32 : index
    %get3A_9 = tpu.vector_load %arg12[%get3A_8] {strides = array<i32>} : memref<64xf32, #tpu.memory_space<vmem>>, vector<16xf32>,
    %get3A_10 = arith.constant 48 : index
    %get3A_11 = tpu.vector_load %arg12[%get3A_10] {strides = array<i32>} : memref<64xf32, #tpu.memory_space<vmem>>, vector<16xf32>,
    %scan3A = arith.constant 0 : i32
    %scan3A_12 = arith.constant 0 : i32
    %scan3A_13 = arith.constant 256 : i32
    %scan3A_14 = arith.addi %scan3A_12, %scan3A_13 : i32
    %scan3A_15 = arith.constant 1 : i32
    scf.for %scan3A_38 = %scan3A_12 to %scan3A_14 step %scan3A_15  : i32 {
      %mul3A_39 = arith.constant 320 : i32
      %mul3A_40 = arith.muli %scan3A_38, %mul3A_39 : i32
      %add3A_41 = arith.constant 256 : i32
      %add3A_42 = arith.addi %mul3A_40, %add3A_41 : i32
      %add3A_43 = arith.constant 0 : i32
      %add3A_44 = arith.addi %add3A_42, %add3A_43 : i32
      %swap3A = arith.index_cast %add3A_44 : i32 to index
      %swap3A_45 = tpu.vector_load %arg10[%swap3A] {strides = array<i32>} : memref<81920xf32, #tpu.memory_space<vmem>>, vector<16xf32>,
      tpu.vector_store %arg10[%swap3A], %get3A_5 {strides = array<i32>} : memref<81920xf32, #tpu.memory_space<vmem>>, vector<16xf32>,
      %mul3A_46 = arith.constant 320 : i32
      %mul3A_47 = arith.muli %scan3A_38, %mul3A_46 : i32
      %add3A_48 = arith.constant 256 : i32
      %add3A_49 = arith.addi %mul3A_47, %add3A_48 : i32
      %add3A_50 = arith.constant 16 : i32
      %add3A_51 = arith.addi %add3A_49, %add3A_50 : i32
      %swap3A_52 = arith.index_cast %add3A_51 : i32 to index
      %swap3A_53 = tpu.vector_load %arg10[%swap3A_52] {strides = array<i32>} : memref<81920xf32, #tpu.memory_space<vmem>>, vector<16xf32>,
      tpu.vector_store %arg10[%swap3A_52], %get3A_7 {strides = array<i32>} : memref<81920xf32, #tpu.memory_space<vmem>>, vector<16xf32>,
      %mul3A_54 = arith.constant 320 : i32
      %mul3A_55 = arith.muli %scan3A_38, %mul3A_54 : i32
      %add3A_56 = arith.constant 256 : i32
      %add3A_57 = arith.addi %mul3A_55, %add3A_56 : i32
      %add3A_58 = arith.constant 32 : i32
      %add3A_59 = arith.addi %add3A_57, %add3A_58 : i32
      %swap3A_60 = arith.index_cast %add3A_59 : i32 to index
      %swap3A_61 = tpu.vector_load %arg10[%swap3A_60] {strides = array<i32>} : memref<81920xf32, #tpu.memory_space<vmem>>, vector<16xf32>,
      tpu.vector_store %arg10[%swap3A_60], %get3A_9 {strides = array<i32>} : memref<81920xf32, #tpu.memory_space<vmem>>, vector<16xf32>,
      %mul3A_62 = arith.constant 320 : i32
      %mul3A_63 = arith.muli %scan3A_38, %mul3A_62 : i32
      %add3A_64 = arith.constant 256 : i32
      %add3A_65 = arith.addi %mul3A_63, %add3A_64 : i32
      %add3A_66 = arith.constant 48 : i32
      %add3A_67 = arith.addi %add3A_65, %add3A_66 : i32
      %swap3A_68 = arith.index_cast %add3A_67 : i32 to index
      %swap3A_69 = tpu.vector_load %arg10[%swap3A_68] {strides = array<i32>} : memref<81920xf32, #tpu.memory_space<vmem>>, vector<16xf32>,
      tpu.vector_store %arg10[%swap3A_68], %get3A_11 {strides = array<i32>} : memref<81920xf32, #tpu.memory_space<vmem>>, vector<16xf32>,
    }
    %scan3A_16 = arith.constant 256 : i32
    %iota3A = tpu.iota {dimensions = array<i32: 0>} : vector<16xi32>
    %scan3A_17 = arith.constant 0 : i32
    %scan3A_18 = arith.constant 0 : i32
    %scan3A_19 = arith.constant 25 : i32
    %scan3A_20 = arith.addi %scan3A_18, %scan3A_19 : i32
    %scan3A_21 = arith.constant 1 : i32
    scf.for %scan3A_38 = %scan3A_18 to %scan3A_20 step %scan3A_21  : i32 {
      %jit3A = arith.constant 2 : i32
      %eq3A = arith.constant 0 : i32
      %eq3A_39 = arith.cmpi eq, %jit3A, %eq3A : i32
      %jit3A_40 = arith.constant 1 : i32
      %select_n3A = arith.select %eq3A_39, %jit3A_40, %jit3A : i32
      %rem3A = arith.remsi %scan3A_38, %select_n3A : i32
      %ne3A = arith.constant 0 : i32
      %ne3A_41 = arith.cmpi ne, %rem3A, %ne3A : i32
      %lt3A = arith.constant 0 : i32
      %lt3A_42 = arith.cmpi slt, %rem3A, %lt3A : i32
      %lt3A_43 = arith.constant 0 : i32
      %lt3A_44 = arith.cmpi slt, %select_n3A, %lt3A_43 : i32
      %ne3A_45 = arith.xori %lt3A_42, %lt3A_44 : i1
      %and3A = arith.andi %ne3A_45, %ne3A_41 : i1
      %add3A_46 = arith.addi %rem3A, %select_n3A : i32
      %select_n3A_47 = arith.select %and3A, %add3A_46, %rem3A : i32
      %mul3A_48 = arith.constant 128 : i32
      %mul3A_49 = arith.muli %select_n3A_47, %mul3A_48 : i32
      %ge3A = arith.constant 2 : i32
      %ge3A_50 = arith.cmpi sge, %scan3A_38, %ge3A : i32
      %convert_element_type3A = arith.extui %ge3A_50 : i1 to i32
      %cond3A = arith.constant 0 : i32
      %cond3A_51 = arith.cmpi ne, %convert_element_type3A, %cond3A : i32
      scf.if %cond3A_51 {
        %dma_wait3A_64 = arith.constant 0 : i32
        %dma_wait3A_65 = tpu.memref_slice %arg10[%dma_wait3A_64] : memref<81920xf32, #tpu.memory_space<vmem>> -> memref<40960xf32, #tpu.memory_space<vmem>>
        %dma_wait3A_66 = arith.constant 0 : i32
        %dma_wait3A_67 = tpu.memref_slice %arg8[%dma_wait3A_66] : memref<32768000xf32, #tpu.memory_space<hbm>> -> memref<40960xf32, #tpu.memory_space<hbm>>
        %dma_wait3A_68 = arith.constant 0 : i32
        %dma_wait3A_69 = tpu.memref_slice %arg8[%dma_wait3A_68] : memref<32768000xf32, #tpu.memory_space<hbm>> -> memref<40960xf32, #tpu.memory_space<hbm>>
        %dma_wait3A_70 = arith.constant 0 : i32
        %dma_wait3A_71 = tpu.memref_slice %arg10[%dma_wait3A_70] : memref<81920xf32, #tpu.memory_space<vmem>> -> memref<40960xf32, #tpu.memory_space<vmem>>
        tpu.wait_dma2 semaphore(%arg13 : memref<!tpu.dma_semaphore, #tpu.memory_space<semaphore_mem>>) src(%dma_wait3A_71 : memref<40960xf32, #tpu.memory_space<vmem>>) dst(%dma_wait3A_69 : memref<40960xf32, #tpu.memory_space<hbm>>)
      } else {
      }
      %parallel_loop3A = arith.constant 0 : i32
      %parallel_loop3A_52 = arith.constant 128 : i32
      %parallel_loop3A_53 = arith.constant 1 : i32
      scf.for %parallel_loop3A_64 = %parallel_loop3A to %parallel_loop3A_52 step %parallel_loop3A_53  : i32 {
        %parallel_loop3A_65 = arith.constant 128 : i32
        %parallel_loop3A_66 = arith.muli %scan3A_38, %parallel_loop3A_65 : i32
        %parallel_loop3A_67 = arith.addi %parallel_loop3A_66, %parallel_loop3A_64 : i32
        %parallel_loop3A_68 = arith.addi %mul3A_49, %parallel_loop3A_64 : i32
        %parallel_loop3A_69 = arith.constant 320 : i32
        %parallel_loop3A_70 = arith.muli %parallel_loop3A_68, %parallel_loop3A_69 : i32
        %parallel_loop3A_71 = arith.constant 5 : i32
        %parallel_loop3A_72 = arith.muli %parallel_loop3A_67, %parallel_loop3A_71 : i32
        %parallel_loop3A_73 = vector.broadcast %parallel_loop3A_72 : i32 to vector<16xi32>
        %parallel_loop3A_74 = arith.addi %iota3A, %parallel_loop3A_73 : vector<16xi32>
        %parallel_loop3A_75 = tpu.vector_load_idx %arg9[%parallel_loop3A_74] : memref<16000xi32, #tpu.memory_space<vmem>>[vector<16xi32>], vector<16xi32>,
        %parallel_loop3A_76 = vector.extract_strided_slice %parallel_loop3A_75 {offsets = [1], sizes = [1], strides = [1]} : vector<16xi32> to vector<1xi32>
        %parallel_loop3A_77 = vector.extract %parallel_loop3A_76[0] : i32 from vector<1xi32>
        %parallel_loop3A_78 = arith.constant 64 : i32
        %parallel_loop3A_79 = arith.muli %parallel_loop3A_77, %parallel_loop3A_78 : i32
        %parallel_loop3A_80 = arith.constant 0 : i32
        %parallel_loop3A_81 = arith.addi %parallel_loop3A_79, %parallel_loop3A_80 : i32
        %parallel_loop3A_82 = arith.constant 0 : i32
        %parallel_loop3A_83 = arith.addi %parallel_loop3A_70, %parallel_loop3A_82 : i32
        %parallel_loop3A_84 = arith.constant 0 : i32
        %parallel_loop3A_85 = arith.addi %parallel_loop3A_81, %parallel_loop3A_84 : i32
        %parallel_loop3A_86 = arith.index_cast %parallel_loop3A_85 : i32 to index
        %parallel_loop3A_87 = tpu.vector_load %arg11[%parallel_loop3A_86] {strides = array<i32>} : memref<4736xf32, #tpu.memory_space<vmem>>, vector<16xf32>,
        %parallel_loop3A_88 = arith.constant 0 : i32
        %parallel_loop3A_89 = arith.addi %parallel_loop3A_83, %parallel_loop3A_88 : i32
        %parallel_loop3A_90 = arith.index_cast %parallel_loop3A_89 : i32 to index
        %parallel_loop3A_91 = tpu.vector_load %arg10[%parallel_loop3A_90] {strides = array<i32>} : memref<81920xf32, #tpu.memory_space<vmem>>, vector<16xf32>,
        tpu.vector_store %arg10[%parallel_loop3A_90], %parallel_loop3A_87 {strides = array<i32>} : memref<81920xf32, #tpu.memory_space<vmem>>, vector<16xf32>,
        %parallel_loop3A_92 = arith.constant 16 : i32
        %parallel_loop3A_93 = arith.addi %parallel_loop3A_81, %parallel_loop3A_92 : i32
        %parallel_loop3A_94 = arith.index_cast %parallel_loop3A_93 : i32 to index
        %parallel_loop3A_95 = tpu.vector_load %arg11[%parallel_loop3A_94] {strides = array<i32>} : memref<4736xf32, #tpu.memory_space<vmem>>, vector<16xf32>,
        %parallel_loop3A_96 = arith.constant 16 : i32
        %parallel_loop3A_97 = arith.addi %parallel_loop3A_83, %parallel_loop3A_96 : i32
        %parallel_loop3A_98 = arith.index_cast %parallel_loop3A_97 : i32 to index
        %parallel_loop3A_99 = tpu.vector_load %arg10[%parallel_loop3A_98] {strides = array<i32>} : memref<81920xf32, #tpu.memory_space<vmem>>, vector<16xf32>,
        tpu.vector_store %arg10[%parallel_loop3A_98], %parallel_loop3A_95 {strides = array<i32>} : memref<81920xf32, #tpu.memory_space<vmem>>, vector<16xf32>,
        %parallel_loop3A_100 = arith.constant 32 : i32
        %parallel_loop3A_101 = arith.addi %parallel_loop3A_81, %parallel_loop3A_100 : i32
        %parallel_loop3A_102 = arith.index_cast %parallel_loop3A_101 : i32 to index
        %parallel_loop3A_103 = tpu.vector_load %arg11[%parallel_loop3A_102] {strides = array<i32>} : memref<4736xf32, #tpu.memory_space<vmem>>, vector<16xf32>,
        %parallel_loop3A_104 = arith.constant 32 : i32
        %parallel_loop3A_105 = arith.addi %parallel_loop3A_83, %parallel_loop3A_104 : i32
        %parallel_loop3A_106 = arith.index_cast %parallel_loop3A_105 : i32 to index
        %parallel_loop3A_107 = tpu.vector_load %arg10[%parallel_loop3A_106] {strides = array<i32>} : memref<81920xf32, #tpu.memory_space<vmem>>, vector<16xf32>,
        tpu.vector_store %arg10[%parallel_loop3A_106], %parallel_loop3A_103 {strides = array<i32>} : memref<81920xf32, #tpu.memory_space<vmem>>, vector<16xf32>,
        %parallel_loop3A_108 = arith.constant 48 : i32
        %parallel_loop3A_109 = arith.addi %parallel_loop3A_81, %parallel_loop3A_108 : i32
        %parallel_loop3A_110 = arith.index_cast %parallel_loop3A_109 : i32 to index
        %parallel_loop3A_111 = tpu.vector_load %arg11[%parallel_loop3A_110] {strides = array<i32>} : memref<4736xf32, #tpu.memory_space<vmem>>, vector<16xf32>,
        %parallel_loop3A_112 = arith.constant 48 : i32
        %parallel_loop3A_113 = arith.addi %parallel_loop3A_83, %parallel_loop3A_112 : i32
        %parallel_loop3A_114 = arith.index_cast %parallel_loop3A_113 : i32 to index
        %parallel_loop3A_115 = tpu.vector_load %arg10[%parallel_loop3A_114] {strides = array<i32>} : memref<81920xf32, #tpu.memory_space<vmem>>, vector<16xf32>,
        tpu.vector_store %arg10[%parallel_loop3A_114], %parallel_loop3A_111 {strides = array<i32>} : memref<81920xf32, #tpu.memory_space<vmem>>, vector<16xf32>,
        %parallel_loop3A_116 = vector.extract_strided_slice %parallel_loop3A_75 {offsets = [2], sizes = [1], strides = [1]} : vector<16xi32> to vector<1xi32>
        %parallel_loop3A_117 = vector.extract %parallel_loop3A_116[0] : i32 from vector<1xi32>
        %parallel_loop3A_118 = arith.constant 64 : i32
        %parallel_loop3A_119 = arith.muli %parallel_loop3A_117, %parallel_loop3A_118 : i32
        %parallel_loop3A_120 = arith.constant 768 : i32
        %parallel_loop3A_121 = arith.addi %parallel_loop3A_119, %parallel_loop3A_120 : i32
        %parallel_loop3A_122 = arith.constant 64 : i32
        %parallel_loop3A_123 = arith.addi %parallel_loop3A_70, %parallel_loop3A_122 : i32
        %parallel_loop3A_124 = arith.constant 0 : i32
        %parallel_loop3A_125 = arith.addi %parallel_loop3A_121, %parallel_loop3A_124 : i32
        %parallel_loop3A_126 = arith.index_cast %parallel_loop3A_125 : i32 to index
        %parallel_loop3A_127 = tpu.vector_load %arg11[%parallel_loop3A_126] {strides = array<i32>} : memref<4736xf32, #tpu.memory_space<vmem>>, vector<16xf32>,
        %parallel_loop3A_128 = arith.constant 0 : i32
        %parallel_loop3A_129 = arith.addi %parallel_loop3A_123, %parallel_loop3A_128 : i32
        %parallel_loop3A_130 = arith.index_cast %parallel_loop3A_129 : i32 to index
        %parallel_loop3A_131 = tpu.vector_load %arg10[%parallel_loop3A_130] {strides = array<i32>} : memref<81920xf32, #tpu.memory_space<vmem>>, vector<16xf32>,
        tpu.vector_store %arg10[%parallel_loop3A_130], %parallel_loop3A_127 {strides = array<i32>} : memref<81920xf32, #tpu.memory_space<vmem>>, vector<16xf32>,
        %parallel_loop3A_132 = arith.constant 16 : i32
        %parallel_loop3A_133 = arith.addi %parallel_loop3A_121, %parallel_loop3A_132 : i32
        %parallel_loop3A_134 = arith.index_cast %parallel_loop3A_133 : i32 to index
        %parallel_loop3A_135 = tpu.vector_load %arg11[%parallel_loop3A_134] {strides = array<i32>} : memref<4736xf32, #tpu.memory_space<vmem>>, vector<16xf32>,
        %parallel_loop3A_136 = arith.constant 16 : i32
        %parallel_loop3A_137 = arith.addi %parallel_loop3A_123, %parallel_loop3A_136 : i32
        %parallel_loop3A_138 = arith.index_cast %parallel_loop3A_137 : i32 to index
        %parallel_loop3A_139 = tpu.vector_load %arg10[%parallel_loop3A_138] {strides = array<i32>} : memref<81920xf32, #tpu.memory_space<vmem>>, vector<16xf32>,
        tpu.vector_store %arg10[%parallel_loop3A_138], %parallel_loop3A_135 {strides = array<i32>} : memref<81920xf32, #tpu.memory_space<vmem>>, vector<16xf32>,
        %parallel_loop3A_140 = arith.constant 32 : i32
        %parallel_loop3A_141 = arith.addi %parallel_loop3A_121, %parallel_loop3A_140 : i32
        %parallel_loop3A_142 = arith.index_cast %parallel_loop3A_141 : i32 to index
        %parallel_loop3A_143 = tpu.vector_load %arg11[%parallel_loop3A_142] {strides = array<i32>} : memref<4736xf32, #tpu.memory_space<vmem>>, vector<16xf32>,
        %parallel_loop3A_144 = arith.constant 32 : i32
        %parallel_loop3A_145 = arith.addi %parallel_loop3A_123, %parallel_loop3A_144 : i32
        %parallel_loop3A_146 = arith.index_cast %parallel_loop3A_145 : i32 to index
        %parallel_loop3A_147 = tpu.vector_load %arg10[%parallel_loop3A_146] {strides = array<i32>} : memref<81920xf32, #tpu.memory_space<vmem>>, vector<16xf32>,
        tpu.vector_store %arg10[%parallel_loop3A_146], %parallel_loop3A_143 {strides = array<i32>} : memref<81920xf32, #tpu.memory_space<vmem>>, vector<16xf32>,
        %parallel_loop3A_148 = arith.constant 48 : i32
        %parallel_loop3A_149 = arith.addi %parallel_loop3A_121, %parallel_loop3A_148 : i32
        %parallel_loop3A_150 = arith.index_cast %parallel_loop3A_149 : i32 to index
        %parallel_loop3A_151 = tpu.vector_load %arg11[%parallel_loop3A_150] {strides = array<i32>} : memref<4736xf32, #tpu.memory_space<vmem>>, vector<16xf32>,
        %parallel_loop3A_152 = arith.constant 48 : i32
        %parallel_loop3A_153 = arith.addi %parallel_loop3A_123, %parallel_loop3A_152 : i32
        %parallel_loop3A_154 = arith.index_cast %parallel_loop3A_153 : i32 to index
        %parallel_loop3A_155 = tpu.vector_load %arg10[%parallel_loop3A_154] {strides = array<i32>} : memref<81920xf32, #tpu.memory_space<vmem>>, vector<16xf32>,
        tpu.vector_store %arg10[%parallel_loop3A_154], %parallel_loop3A_151 {strides = array<i32>} : memref<81920xf32, #tpu.memory_space<vmem>>, vector<16xf32>,
        %parallel_loop3A_156 = vector.extract_strided_slice %parallel_loop3A_75 {offsets = [3], sizes = [1], strides = [1]} : vector<16xi32> to vector<1xi32>
        %parallel_loop3A_157 = vector.extract %parallel_loop3A_156[0] : i32 from vector<1xi32>
        %parallel_loop3A_158 = arith.constant 64 : i32
        %parallel_loop3A_159 = arith.muli %parallel_loop3A_157, %parallel_loop3A_158 : i32
        %parallel_loop3A_160 = arith.constant 2752 : i32
        %parallel_loop3A_161 = arith.addi %parallel_loop3A_159, %parallel_loop3A_160 : i32
        %parallel_loop3A_162 = arith.constant 128 : i32
        %parallel_loop3A_163 = arith.addi %parallel_loop3A_70, %parallel_loop3A_162 : i32
        %parallel_loop3A_164 = arith.constant 0 : i32
        %parallel_loop3A_165 = arith.addi %parallel_loop3A_161, %parallel_loop3A_164 : i32
        %parallel_loop3A_166 = arith.index_cast %parallel_loop3A_165 : i32 to index
        %parallel_loop3A_167 = tpu.vector_load %arg11[%parallel_loop3A_166] {strides = array<i32>} : memref<4736xf32, #tpu.memory_space<vmem>>, vector<16xf32>,
        %parallel_loop3A_168 = arith.constant 0 : i32
        %parallel_loop3A_169 = arith.addi %parallel_loop3A_163, %parallel_loop3A_168 : i32
        %parallel_loop3A_170 = arith.index_cast %parallel_loop3A_169 : i32 to index
        %parallel_loop3A_171 = tpu.vector_load %arg10[%parallel_loop3A_170] {strides = array<i32>} : memref<81920xf32, #tpu.memory_space<vmem>>, vector<16xf32>,
        tpu.vector_store %arg10[%parallel_loop3A_170], %parallel_loop3A_167 {strides = array<i32>} : memref<81920xf32, #tpu.memory_space<vmem>>, vector<16xf32>,
        %parallel_loop3A_172 = arith.constant 16 : i32
        %parallel_loop3A_173 = arith.addi %parallel_loop3A_161, %parallel_loop3A_172 : i32
        %parallel_loop3A_174 = arith.index_cast %parallel_loop3A_173 : i32 to index
        %parallel_loop3A_175 = tpu.vector_load %arg11[%parallel_loop3A_174] {strides = array<i32>} : memref<4736xf32, #tpu.memory_space<vmem>>, vector<16xf32>,
        %parallel_loop3A_176 = arith.constant 16 : i32
        %parallel_loop3A_177 = arith.addi %parallel_loop3A_163, %parallel_loop3A_176 : i32
        %parallel_loop3A_178 = arith.index_cast %parallel_loop3A_177 : i32 to index
        %parallel_loop3A_179 = tpu.vector_load %arg10[%parallel_loop3A_178] {strides = array<i32>} : memref<81920xf32, #tpu.memory_space<vmem>>, vector<16xf32>,
        tpu.vector_store %arg10[%parallel_loop3A_178], %parallel_loop3A_175 {strides = array<i32>} : memref<81920xf32, #tpu.memory_space<vmem>>, vector<16xf32>,
        %parallel_loop3A_180 = arith.constant 32 : i32
        %parallel_loop3A_181 = arith.addi %parallel_loop3A_161, %parallel_loop3A_180 : i32
        %parallel_loop3A_182 = arith.index_cast %parallel_loop3A_181 : i32 to index
        %parallel_loop3A_183 = tpu.vector_load %arg11[%parallel_loop3A_182] {strides = array<i32>} : memref<4736xf32, #tpu.memory_space<vmem>>, vector<16xf32>,
        %parallel_loop3A_184 = arith.constant 32 : i32
        %parallel_loop3A_185 = arith.addi %parallel_loop3A_163, %parallel_loop3A_184 : i32
        %parallel_loop3A_186 = arith.index_cast %parallel_loop3A_185 : i32 to index
        %parallel_loop3A_187 = tpu.vector_load %arg10[%parallel_loop3A_186] {strides = array<i32>} : memref<81920xf32, #tpu.memory_space<vmem>>, vector<16xf32>,
        tpu.vector_store %arg10[%parallel_loop3A_186], %parallel_loop3A_183 {strides = array<i32>} : memref<81920xf32, #tpu.memory_space<vmem>>, vector<16xf32>,
        %parallel_loop3A_188 = arith.constant 48 : i32
        %parallel_loop3A_189 = arith.addi %parallel_loop3A_161, %parallel_loop3A_188 : i32
        %parallel_loop3A_190 = arith.index_cast %parallel_loop3A_189 : i32 to index
        %parallel_loop3A_191 = tpu.vector_load %arg11[%parallel_loop3A_190] {strides = array<i32>} : memref<4736xf32, #tpu.memory_space<vmem>>, vector<16xf32>,
        %parallel_loop3A_192 = arith.constant 48 : i32
        %parallel_loop3A_193 = arith.addi %parallel_loop3A_163, %parallel_loop3A_192 : i32
        %parallel_loop3A_194 = arith.index_cast %parallel_loop3A_193 : i32 to index
        %parallel_loop3A_195 = tpu.vector_load %arg10[%parallel_loop3A_194] {strides = array<i32>} : memref<81920xf32, #tpu.memory_space<vmem>>, vector<16xf32>,
        tpu.vector_store %arg10[%parallel_loop3A_194], %parallel_loop3A_191 {strides = array<i32>} : memref<81920xf32, #tpu.memory_space<vmem>>, vector<16xf32>,
        %parallel_loop3A_196 = vector.extract_strided_slice %parallel_loop3A_75 {offsets = [4], sizes = [1], strides = [1]} : vector<16xi32> to vector<1xi32>
        %parallel_loop3A_197 = vector.extract %parallel_loop3A_196[0] : i32 from vector<1xi32>
        %parallel_loop3A_198 = arith.constant 64 : i32
        %parallel_loop3A_199 = arith.muli %parallel_loop3A_197, %parallel_loop3A_198 : i32
        %parallel_loop3A_200 = arith.constant 4288 : i32
        %parallel_loop3A_201 = arith.addi %parallel_loop3A_199, %parallel_loop3A_200 : i32
        %parallel_loop3A_202 = arith.constant 192 : i32
        %parallel_loop3A_203 = arith.addi %parallel_loop3A_70, %parallel_loop3A_202 : i32
        %parallel_loop3A_204 = arith.constant 0 : i32
        %parallel_loop3A_205 = arith.addi %parallel_loop3A_201, %parallel_loop3A_204 : i32
        %parallel_loop3A_206 = arith.index_cast %parallel_loop3A_205 : i32 to index
        %parallel_loop3A_207 = tpu.vector_load %arg11[%parallel_loop3A_206] {strides = array<i32>} : memref<4736xf32, #tpu.memory_space<vmem>>, vector<16xf32>,
        %parallel_loop3A_208 = arith.constant 0 : i32
        %parallel_loop3A_209 = arith.addi %parallel_loop3A_203, %parallel_loop3A_208 : i32
        %parallel_loop3A_210 = arith.index_cast %parallel_loop3A_209 : i32 to index
        %parallel_loop3A_211 = tpu.vector_load %arg10[%parallel_loop3A_210] {strides = array<i32>} : memref<81920xf32, #tpu.memory_space<vmem>>, vector<16xf32>,
        tpu.vector_store %arg10[%parallel_loop3A_210], %parallel_loop3A_207 {strides = array<i32>} : memref<81920xf32, #tpu.memory_space<vmem>>, vector<16xf32>,
        %parallel_loop3A_212 = arith.constant 16 : i32
        %parallel_loop3A_213 = arith.addi %parallel_loop3A_201, %parallel_loop3A_212 : i32
        %parallel_loop3A_214 = arith.index_cast %parallel_loop3A_213 : i32 to index
        %parallel_loop3A_215 = tpu.vector_load %arg11[%parallel_loop3A_214] {strides = array<i32>} : memref<4736xf32, #tpu.memory_space<vmem>>, vector<16xf32>,
        %parallel_loop3A_216 = arith.constant 16 : i32
        %parallel_loop3A_217 = arith.addi %parallel_loop3A_203, %parallel_loop3A_216 : i32
        %parallel_loop3A_218 = arith.index_cast %parallel_loop3A_217 : i32 to index
        %parallel_loop3A_219 = tpu.vector_load %arg10[%parallel_loop3A_218] {strides = array<i32>} : memref<81920xf32, #tpu.memory_space<vmem>>, vector<16xf32>,
        tpu.vector_store %arg10[%parallel_loop3A_218], %parallel_loop3A_215 {strides = array<i32>} : memref<81920xf32, #tpu.memory_space<vmem>>, vector<16xf32>,
        %parallel_loop3A_220 = arith.constant 32 : i32
        %parallel_loop3A_221 = arith.addi %parallel_loop3A_201, %parallel_loop3A_220 : i32
        %parallel_loop3A_222 = arith.index_cast %parallel_loop3A_221 : i32 to index
        %parallel_loop3A_223 = tpu.vector_load %arg11[%parallel_loop3A_222] {strides = array<i32>} : memref<4736xf32, #tpu.memory_space<vmem>>, vector<16xf32>,
        %parallel_loop3A_224 = arith.constant 32 : i32
        %parallel_loop3A_225 = arith.addi %parallel_loop3A_203, %parallel_loop3A_224 : i32
        %parallel_loop3A_226 = arith.index_cast %parallel_loop3A_225 : i32 to index
        %parallel_loop3A_227 = tpu.vector_load %arg10[%parallel_loop3A_226] {strides = array<i32>} : memref<81920xf32, #tpu.memory_space<vmem>>, vector<16xf32>,
        tpu.vector_store %arg10[%parallel_loop3A_226], %parallel_loop3A_223 {strides = array<i32>} : memref<81920xf32, #tpu.memory_space<vmem>>, vector<16xf32>,
        %parallel_loop3A_228 = arith.constant 48 : i32
        %parallel_loop3A_229 = arith.addi %parallel_loop3A_201, %parallel_loop3A_228 : i32
        %parallel_loop3A_230 = arith.index_cast %parallel_loop3A_229 : i32 to index
        %parallel_loop3A_231 = tpu.vector_load %arg11[%parallel_loop3A_230] {strides = array<i32>} : memref<4736xf32, #tpu.memory_space<vmem>>, vector<16xf32>,
        %parallel_loop3A_232 = arith.constant 48 : i32
        %parallel_loop3A_233 = arith.addi %parallel_loop3A_203, %parallel_loop3A_232 : i32
        %parallel_loop3A_234 = arith.index_cast %parallel_loop3A_233 : i32 to index
        %parallel_loop3A_235 = tpu.vector_load %arg10[%parallel_loop3A_234] {strides = array<i32>} : memref<81920xf32, #tpu.memory_space<vmem>>, vector<16xf32>,
        tpu.vector_store %arg10[%parallel_loop3A_234], %parallel_loop3A_231 {strides = array<i32>} : memref<81920xf32, #tpu.memory_space<vmem>>, vector<16xf32>,
      } {sc.loop_unroll_factor = 4 : i64, sc.parallel_access}
      %mul3A_54 = arith.constant 320 : i32
      %mul3A_55 = arith.muli %mul3A_49, %mul3A_54 : i32
      %mul3A_56 = arith.constant 128 : i32
      %mul3A_57 = arith.muli %scan3A_38, %mul3A_56 : i32
      %add3A_58 = arith.addi %mul3A_2, %mul3A_57 : i32
      %mul3A_59 = arith.constant 320 : i32
      %mul3A_60 = arith.muli %add3A_58, %mul3A_59 : i32
      %dma_start3A = tpu.memref_slice %arg10[%mul3A_55] : memref<81920xf32, #tpu.memory_space<vmem>> -> memref<40960xf32, #tpu.memory_space<vmem>>
      %dma_start3A_61 = tpu.memref_slice %arg8[%mul3A_60] : memref<32768000xf32, #tpu.memory_space<hbm>> -> memref<40960xf32, #tpu.memory_space<hbm>>
      %dma_start3A_62 = tpu.memref_slice %arg8[%mul3A_60] : memref<32768000xf32, #tpu.memory_space<hbm>> -> memref<40960xf32, #tpu.memory_space<hbm>>
      %dma_start3A_63 = tpu.memref_slice %arg10[%mul3A_55] : memref<81920xf32, #tpu.memory_space<vmem>> -> memref<40960xf32, #tpu.memory_space<vmem>>
      tpu.enqueue_dma source(%dma_start3A_63 : memref<40960xf32, #tpu.memory_space<vmem>>) target(%dma_start3A_62 : memref<40960xf32, #tpu.memory_space<hbm>>) target_semaphore(%arg13 : memref<!tpu.dma_semaphore, #tpu.memory_space<semaphore_mem>>)
    }
    %scan3A_22 = arith.constant 25 : i32
    %dma_wait3A = arith.constant 0 : i32
    %dma_wait3A_23 = tpu.memref_slice %arg10[%dma_wait3A] : memref<81920xf32, #tpu.memory_space<vmem>> -> memref<40960xf32, #tpu.memory_space<vmem>>
    %dma_wait3A_24 = arith.constant 0 : i32
    %dma_wait3A_25 = tpu.memref_slice %arg8[%dma_wait3A_24] : memref<32768000xf32, #tpu.memory_space<hbm>> -> memref<40960xf32, #tpu.memory_space<hbm>>
    %dma_wait3A_26 = arith.constant 0 : i32
    %dma_wait3A_27 = tpu.memref_slice %arg8[%dma_wait3A_26] : memref<32768000xf32, #tpu.memory_space<hbm>> -> memref<40960xf32, #tpu.memory_space<hbm>>
    %dma_wait3A_28 = arith.constant 0 : i32
    %dma_wait3A_29 = tpu.memref_slice %arg10[%dma_wait3A_28] : memref<81920xf32, #tpu.memory_space<vmem>> -> memref<40960xf32, #tpu.memory_space<vmem>>
    tpu.wait_dma2 semaphore(%arg13 : memref<!tpu.dma_semaphore, #tpu.memory_space<semaphore_mem>>) src(%dma_wait3A_29 : memref<40960xf32, #tpu.memory_space<vmem>>) dst(%dma_wait3A_27 : memref<40960xf32, #tpu.memory_space<hbm>>)
    %dma_wait3A_30 = arith.constant 0 : i32
    %dma_wait3A_31 = tpu.memref_slice %arg10[%dma_wait3A_30] : memref<81920xf32, #tpu.memory_space<vmem>> -> memref<40960xf32, #tpu.memory_space<vmem>>
    %dma_wait3A_32 = arith.constant 0 : i32
    %dma_wait3A_33 = tpu.memref_slice %arg8[%dma_wait3A_32] : memref<32768000xf32, #tpu.memory_space<hbm>> -> memref<40960xf32, #tpu.memory_space<hbm>>
    %dma_wait3A_34 = arith.constant 0 : i32
    %dma_wait3A_35 = tpu.memref_slice %arg8[%dma_wait3A_34] : memref<32768000xf32, #tpu.memory_space<hbm>> -> memref<40960xf32, #tpu.memory_space<hbm>>
    %dma_wait3A_36 = arith.constant 0 : i32
    %dma_wait3A_37 = tpu.memref_slice %arg10[%dma_wait3A_36] : memref<81920xf32, #tpu.memory_space<vmem>> -> memref<40960xf32, #tpu.memory_space<vmem>>
    tpu.wait_dma2 semaphore(%arg13 : memref<!tpu.dma_semaphore, #tpu.memory_space<semaphore_mem>>) src(%dma_wait3A_37 : memref<40960xf32, #tpu.memory_space<vmem>>) dst(%dma_wait3A_35 : memref<40960xf32, #tpu.memory_space<hbm>>)
    return
  }
}

#map = affine_map<(d0, d1) -> (0)>
module attributes {stable_mosaic.version = 14 : i64} {
  func.func @_sc_body(%arg0: i32, %arg1: i32, %arg2: memref<512000xi32, #tpu.memory_space<hbm>>, %arg3: memref<768xf32, #tpu.memory_space<hbm>>, %arg4: memref<1984xf32, #tpu.memory_space<hbm>>, %arg5: memref<1536xf32, #tpu.memory_space<hbm>>, %arg6: memref<448xf32, #tpu.memory_space<hbm>>, %arg7: memref<3200xf32, #tpu.memory_space<hbm>>, %arg8: memref<32768000xf32, #tpu.memory_space<hbm>>, %arg9: memref<16000xi32, #tpu.memory_space<vmem>>, %arg10: memref<81920xf32, #tpu.memory_space<vmem>>, %arg11: memref<4736xf32, #tpu.memory_space<vmem>>, %arg12: memref<64xf32, #tpu.memory_space<vmem>>, %arg13: memref<!tpu.dma_semaphore, #tpu.memory_space<semaphore_mem>>) attributes {dimension_semantics = [#tpu.dimension_semantics<core_parallel>, #tpu.dimension_semantics<subcore_parallel>], iteration_bounds = array<i64: 2, 16>, scalar_prefetch = 0 : i64, scratch_operands = 5 : i64, tpu.core_type = #tpu.core_type<sc_vector_subcore>, window_params = [{transform_indices = #map}, {transform_indices = #map}, {transform_indices = #map}, {transform_indices = #map}, {transform_indices = #map}, {transform_indices = #map}, {transform_indices = #map}]} {
    %mul3A = arith.constant 2 : i32
    %mul3A_0 = arith.muli %arg1, %mul3A : i32
    %add3A = arith.addi %mul3A_0, %arg0 : i32
    %mul3A_1 = arith.constant 3200 : i32
    %mul3A_2 = arith.muli %add3A, %mul3A_1 : i32
    %mul3A_3 = arith.constant 5 : i32
    %mul3A_4 = arith.muli %mul3A_2, %mul3A_3 : i32
    "tpu.region"() ({
      %run_scoped3A = tpu.sem_alloc : memref<!tpu.dma_semaphore, #tpu.memory_space<semaphore_mem>>
      %dma_start3A = tpu.memref_slice %arg2[%mul3A_4] : memref<512000xi32, #tpu.memory_space<hbm>> -> memref<16000xi32, #tpu.memory_space<hbm>>
      %dma_start3A_38 = tpu.memref_slice %arg2[%mul3A_4] : memref<512000xi32, #tpu.memory_space<hbm>> -> memref<16000xi32, #tpu.memory_space<hbm>>
      tpu.enqueue_dma source(%dma_start3A_38 : memref<16000xi32, #tpu.memory_space<hbm>>) target(%arg9 : memref<16000xi32, #tpu.memory_space<vmem>>) target_semaphore(%run_scoped3A : memref<!tpu.dma_semaphore, #tpu.memory_space<semaphore_mem>>)
      %dma_wait3A_39 = tpu.memref_slice %arg2[%mul3A_4] : memref<512000xi32, #tpu.memory_space<hbm>> -> memref<16000xi32, #tpu.memory_space<hbm>>
      %dma_wait3A_40 = tpu.memref_slice %arg2[%mul3A_4] : memref<512000xi32, #tpu.memory_space<hbm>> -> memref<16000xi32, #tpu.memory_space<hbm>>
      tpu.wait_dma2 semaphore(%run_scoped3A : memref<!tpu.dma_semaphore, #tpu.memory_space<semaphore_mem>>) src(%dma_wait3A_40 : memref<16000xi32, #tpu.memory_space<hbm>>) dst(%arg9 : memref<16000xi32, #tpu.memory_space<vmem>>)
      tpu.yield
    }) : () -> ()
    "tpu.region"() ({
      %run_scoped3A = tpu.sem_alloc : memref<!tpu.dma_semaphore, #tpu.memory_space<semaphore_mem>>
      %dma_start3A = arith.constant 0 : i32
      %dma_start3A_38 = tpu.memref_slice %arg11[%dma_start3A] : memref<4736xf32, #tpu.memory_space<vmem>> -> memref<768xf32, #tpu.memory_space<vmem>>
      %dma_start3A_39 = arith.constant 0 : i32
      %dma_start3A_40 = tpu.memref_slice %arg11[%dma_start3A_39] : memref<4736xf32, #tpu.memory_space<vmem>> -> memref<768xf32, #tpu.memory_space<vmem>>
      tpu.enqueue_dma source(%arg3 : memref<768xf32, #tpu.memory_space<hbm>>) target(%dma_start3A_40 : memref<768xf32, #tpu.memory_space<vmem>>) target_semaphore(%run_scoped3A : memref<!tpu.dma_semaphore, #tpu.memory_space<semaphore_mem>>)
      %dma_wait3A_41 = arith.constant 0 : i32
      %dma_wait3A_42 = tpu.memref_slice %arg11[%dma_wait3A_41] : memref<4736xf32, #tpu.memory_space<vmem>> -> memref<768xf32, #tpu.memory_space<vmem>>
      %dma_wait3A_43 = arith.constant 0 : i32
      %dma_wait3A_44 = tpu.memref_slice %arg11[%dma_wait3A_43] : memref<4736xf32, #tpu.memory_space<vmem>> -> memref<768xf32, #tpu.memory_space<vmem>>
      tpu.wait_dma2 semaphore(%run_scoped3A : memref<!tpu.dma_semaphore, #tpu.memory_space<semaphore_mem>>) src(%arg3 : memref<768xf32, #tpu.memory_space<hbm>>) dst(%dma_wait3A_44 : memref<768xf32, #tpu.memory_space<vmem>>)
      tpu.yield
    }) : () -> ()
    "tpu.region"() ({
      %run_scoped3A = tpu.sem_alloc : memref<!tpu.dma_semaphore, #tpu.memory_space<semaphore_mem>>
      %dma_start3A = arith.constant 768 : i32
      %dma_start3A_38 = tpu.memref_slice %arg11[%dma_start3A] : memref<4736xf32, #tpu.memory_space<vmem>> -> memref<1984xf32, #tpu.memory_space<vmem>>
      %dma_start3A_39 = arith.constant 768 : i32
      %dma_start3A_40 = tpu.memref_slice %arg11[%dma_start3A_39] : memref<4736xf32, #tpu.memory_space<vmem>> -> memref<1984xf32, #tpu.memory_space<vmem>>
      tpu.enqueue_dma source(%arg4 : memref<1984xf32, #tpu.memory_space<hbm>>) target(%dma_start3A_40 : memref<1984xf32, #tpu.memory_space<vmem>>) target_semaphore(%run_scoped3A : memref<!tpu.dma_semaphore, #tpu.memory_space<semaphore_mem>>)
      %dma_wait3A_41 = arith.constant 768 : i32
      %dma_wait3A_42 = tpu.memref_slice %arg11[%dma_wait3A_41] : memref<4736xf32, #tpu.memory_space<vmem>> -> memref<1984xf32, #tpu.memory_space<vmem>>
      %dma_wait3A_43 = arith.constant 768 : i32
      %dma_wait3A_44 = tpu.memref_slice %arg11[%dma_wait3A_43] : memref<4736xf32, #tpu.memory_space<vmem>> -> memref<1984xf32, #tpu.memory_space<vmem>>
      tpu.wait_dma2 semaphore(%run_scoped3A : memref<!tpu.dma_semaphore, #tpu.memory_space<semaphore_mem>>) src(%arg4 : memref<1984xf32, #tpu.memory_space<hbm>>) dst(%dma_wait3A_44 : memref<1984xf32, #tpu.memory_space<vmem>>)
      tpu.yield
    }) : () -> ()
    "tpu.region"() ({
      %run_scoped3A = tpu.sem_alloc : memref<!tpu.dma_semaphore, #tpu.memory_space<semaphore_mem>>
      %dma_start3A = arith.constant 2752 : i32
      %dma_start3A_38 = tpu.memref_slice %arg11[%dma_start3A] : memref<4736xf32, #tpu.memory_space<vmem>> -> memref<1536xf32, #tpu.memory_space<vmem>>
      %dma_start3A_39 = arith.constant 2752 : i32
      %dma_start3A_40 = tpu.memref_slice %arg11[%dma_start3A_39] : memref<4736xf32, #tpu.memory_space<vmem>> -> memref<1536xf32, #tpu.memory_space<vmem>>
      tpu.enqueue_dma source(%arg5 : memref<1536xf32, #tpu.memory_space<hbm>>) target(%dma_start3A_40 : memref<1536xf32, #tpu.memory_space<vmem>>) target_semaphore(%run_scoped3A : memref<!tpu.dma_semaphore, #tpu.memory_space<semaphore_mem>>)
      %dma_wait3A_41 = arith.constant 2752 : i32
      %dma_wait3A_42 = tpu.memref_slice %arg11[%dma_wait3A_41] : memref<4736xf32, #tpu.memory_space<vmem>> -> memref<1536xf32, #tpu.memory_space<vmem>>
      %dma_wait3A_43 = arith.constant 2752 : i32
      %dma_wait3A_44 = tpu.memref_slice %arg11[%dma_wait3A_43] : memref<4736xf32, #tpu.memory_space<vmem>> -> memref<1536xf32, #tpu.memory_space<vmem>>
      tpu.wait_dma2 semaphore(%run_scoped3A : memref<!tpu.dma_semaphore, #tpu.memory_space<semaphore_mem>>) src(%arg5 : memref<1536xf32, #tpu.memory_space<hbm>>) dst(%dma_wait3A_44 : memref<1536xf32, #tpu.memory_space<vmem>>)
      tpu.yield
    }) : () -> ()
    "tpu.region"() ({
      %run_scoped3A = tpu.sem_alloc : memref<!tpu.dma_semaphore, #tpu.memory_space<semaphore_mem>>
      %dma_start3A = arith.constant 4288 : i32
      %dma_start3A_38 = tpu.memref_slice %arg11[%dma_start3A] : memref<4736xf32, #tpu.memory_space<vmem>> -> memref<448xf32, #tpu.memory_space<vmem>>
      %dma_start3A_39 = arith.constant 4288 : i32
      %dma_start3A_40 = tpu.memref_slice %arg11[%dma_start3A_39] : memref<4736xf32, #tpu.memory_space<vmem>> -> memref<448xf32, #tpu.memory_space<vmem>>
      tpu.enqueue_dma source(%arg6 : memref<448xf32, #tpu.memory_space<hbm>>) target(%dma_start3A_40 : memref<448xf32, #tpu.memory_space<vmem>>) target_semaphore(%run_scoped3A : memref<!tpu.dma_semaphore, #tpu.memory_space<semaphore_mem>>)
      %dma_wait3A_41 = arith.constant 4288 : i32
      %dma_wait3A_42 = tpu.memref_slice %arg11[%dma_wait3A_41] : memref<4736xf32, #tpu.memory_space<vmem>> -> memref<448xf32, #tpu.memory_space<vmem>>
      %dma_wait3A_43 = arith.constant 4288 : i32
      %dma_wait3A_44 = tpu.memref_slice %arg11[%dma_wait3A_43] : memref<4736xf32, #tpu.memory_space<vmem>> -> memref<448xf32, #tpu.memory_space<vmem>>
      tpu.wait_dma2 semaphore(%run_scoped3A : memref<!tpu.dma_semaphore, #tpu.memory_space<semaphore_mem>>) src(%arg6 : memref<448xf32, #tpu.memory_space<hbm>>) dst(%dma_wait3A_44 : memref<448xf32, #tpu.memory_space<vmem>>)
      tpu.yield
    }) : () -> ()
    "tpu.region"() ({
      %run_scoped3A = tpu.sem_alloc : memref<!tpu.dma_semaphore, #tpu.memory_space<semaphore_mem>>
      %dma_start3A = arith.constant 0 : i32
      %dma_start3A_38 = tpu.memref_slice %arg7[%dma_start3A] : memref<3200xf32, #tpu.memory_space<hbm>> -> memref<64xf32, #tpu.memory_space<hbm>>
      %dma_start3A_39 = arith.constant 0 : i32
      %dma_start3A_40 = tpu.memref_slice %arg7[%dma_start3A_39] : memref<3200xf32, #tpu.memory_space<hbm>> -> memref<64xf32, #tpu.memory_space<hbm>>
      tpu.enqueue_dma source(%dma_start3A_40 : memref<64xf32, #tpu.memory_space<hbm>>) target(%arg12 : memref<64xf32, #tpu.memory_space<vmem>>) target_semaphore(%run_scoped3A : memref<!tpu.dma_semaphore, #tpu.memory_space<semaphore_mem>>)
      %dma_wait3A_41 = arith.constant 0 : i32
      %dma_wait3A_42 = tpu.memref_slice %arg7[%dma_wait3A_41] : memref<3200xf32, #tpu.memory_space<hbm>> -> memref<64xf32, #tpu.memory_space<hbm>>
      %dma_wait3A_43 = arith.constant 0 : i32
      %dma_wait3A_44 = tpu.memref_slice %arg7[%dma_wait3A_43] : memref<3200xf32, #tpu.memory_space<hbm>> -> memref<64xf32, #tpu.memory_space<hbm>>
      tpu.wait_dma2 semaphore(%run_scoped3A : memref<!tpu.dma_semaphore, #tpu.memory_space<semaphore_mem>>) src(%dma_wait3A_44 : memref<64xf32, #tpu.memory_space<hbm>>) dst(%arg12 : memref<64xf32, #tpu.memory_space<vmem>>)
      tpu.yield
    }) : () -> ()
    %get3A = arith.constant 0 : index
    %get3A_5 = tpu.vector_load %arg12[%get3A] {strides = array<i32>} : memref<64xf32, #tpu.memory_space<vmem>>, vector<16xf32>,
    %get3A_6 = arith.constant 16 : index
    %get3A_7 = tpu.vector_load %arg12[%get3A_6] {strides = array<i32>} : memref<64xf32, #tpu.memory_space<vmem>>, vector<16xf32>,
    %get3A_8 = arith.constant 32 : index
    %get3A_9 = tpu.vector_load %arg12[%get3A_8] {strides = array<i32>} : memref<64xf32, #tpu.memory_space<vmem>>, vector<16xf32>,
    %get3A_10 = arith.constant 48 : index
    %get3A_11 = tpu.vector_load %arg12[%get3A_10] {strides = array<i32>} : memref<64xf32, #tpu.memory_space<vmem>>, vector<16xf32>,
    %scan3A = arith.constant 0 : i32
    %scan3A_12 = arith.constant 0 : i32
    %scan3A_13 = arith.constant 256 : i32
    %scan3A_14 = arith.addi %scan3A_12, %scan3A_13 : i32
    %scan3A_15 = arith.constant 1 : i32
    scf.for %scan3A_38 = %scan3A_12 to %scan3A_14 step %scan3A_15  : i32 {
      %mul3A_39 = arith.constant 320 : i32
      %mul3A_40 = arith.muli %scan3A_38, %mul3A_39 : i32
      %add3A_41 = arith.constant 256 : i32
      %add3A_42 = arith.addi %mul3A_40, %add3A_41 : i32
      %add3A_43 = arith.constant 0 : i32
      %add3A_44 = arith.addi %add3A_42, %add3A_43 : i32
      %swap3A = arith.index_cast %add3A_44 : i32 to index
      %swap3A_45 = tpu.vector_load %arg10[%swap3A] {strides = array<i32>} : memref<81920xf32, #tpu.memory_space<vmem>>, vector<16xf32>,
      tpu.vector_store %arg10[%swap3A], %get3A_5 {strides = array<i32>} : memref<81920xf32, #tpu.memory_space<vmem>>, vector<16xf32>,
      %mul3A_46 = arith.constant 320 : i32
      %mul3A_47 = arith.muli %scan3A_38, %mul3A_46 : i32
      %add3A_48 = arith.constant 256 : i32
      %add3A_49 = arith.addi %mul3A_47, %add3A_48 : i32
      %add3A_50 = arith.constant 16 : i32
      %add3A_51 = arith.addi %add3A_49, %add3A_50 : i32
      %swap3A_52 = arith.index_cast %add3A_51 : i32 to index
      %swap3A_53 = tpu.vector_load %arg10[%swap3A_52] {strides = array<i32>} : memref<81920xf32, #tpu.memory_space<vmem>>, vector<16xf32>,
      tpu.vector_store %arg10[%swap3A_52], %get3A_7 {strides = array<i32>} : memref<81920xf32, #tpu.memory_space<vmem>>, vector<16xf32>,
      %mul3A_54 = arith.constant 320 : i32
      %mul3A_55 = arith.muli %scan3A_38, %mul3A_54 : i32
      %add3A_56 = arith.constant 256 : i32
      %add3A_57 = arith.addi %mul3A_55, %add3A_56 : i32
      %add3A_58 = arith.constant 32 : i32
      %add3A_59 = arith.addi %add3A_57, %add3A_58 : i32
      %swap3A_60 = arith.index_cast %add3A_59 : i32 to index
      %swap3A_61 = tpu.vector_load %arg10[%swap3A_60] {strides = array<i32>} : memref<81920xf32, #tpu.memory_space<vmem>>, vector<16xf32>,
      tpu.vector_store %arg10[%swap3A_60], %get3A_9 {strides = array<i32>} : memref<81920xf32, #tpu.memory_space<vmem>>, vector<16xf32>,
      %mul3A_62 = arith.constant 320 : i32
      %mul3A_63 = arith.muli %scan3A_38, %mul3A_62 : i32
      %add3A_64 = arith.constant 256 : i32
      %add3A_65 = arith.addi %mul3A_63, %add3A_64 : i32
      %add3A_66 = arith.constant 48 : i32
      %add3A_67 = arith.addi %add3A_65, %add3A_66 : i32
      %swap3A_68 = arith.index_cast %add3A_67 : i32 to index
      %swap3A_69 = tpu.vector_load %arg10[%swap3A_68] {strides = array<i32>} : memref<81920xf32, #tpu.memory_space<vmem>>, vector<16xf32>,
      tpu.vector_store %arg10[%swap3A_68], %get3A_11 {strides = array<i32>} : memref<81920xf32, #tpu.memory_space<vmem>>, vector<16xf32>,
    }
    %scan3A_16 = arith.constant 256 : i32
    %iota3A = tpu.iota {dimensions = array<i32: 0>} : vector<16xi32>
    %scan3A_17 = arith.constant 0 : i32
    %scan3A_18 = arith.constant 0 : i32
    %scan3A_19 = arith.constant 25 : i32
    %scan3A_20 = arith.addi %scan3A_18, %scan3A_19 : i32
    %scan3A_21 = arith.constant 1 : i32
    scf.for %scan3A_38 = %scan3A_18 to %scan3A_20 step %scan3A_21  : i32 {
      %jit3A = arith.constant 2 : i32
      %eq3A = arith.constant 0 : i32
      %eq3A_39 = arith.cmpi eq, %jit3A, %eq3A : i32
      %jit3A_40 = arith.constant 1 : i32
      %select_n3A = arith.select %eq3A_39, %jit3A_40, %jit3A : i32
      %rem3A = arith.remsi %scan3A_38, %select_n3A : i32
      %ne3A = arith.constant 0 : i32
      %ne3A_41 = arith.cmpi ne, %rem3A, %ne3A : i32
      %lt3A = arith.constant 0 : i32
      %lt3A_42 = arith.cmpi slt, %rem3A, %lt3A : i32
      %lt3A_43 = arith.constant 0 : i32
      %lt3A_44 = arith.cmpi slt, %select_n3A, %lt3A_43 : i32
      %ne3A_45 = arith.xori %lt3A_42, %lt3A_44 : i1
      %and3A = arith.andi %ne3A_45, %ne3A_41 : i1
      %add3A_46 = arith.addi %rem3A, %select_n3A : i32
      %select_n3A_47 = arith.select %and3A, %add3A_46, %rem3A : i32
      %mul3A_48 = arith.constant 128 : i32
      %mul3A_49 = arith.muli %select_n3A_47, %mul3A_48 : i32
      %ge3A = arith.constant 2 : i32
      %ge3A_50 = arith.cmpi sge, %scan3A_38, %ge3A : i32
      %convert_element_type3A = arith.extui %ge3A_50 : i1 to i32
      %cond3A = arith.constant 0 : i32
      %cond3A_51 = arith.cmpi ne, %convert_element_type3A, %cond3A : i32
      scf.if %cond3A_51 {
        %dma_wait3A_64 = arith.constant 0 : i32
        %dma_wait3A_65 = tpu.memref_slice %arg10[%dma_wait3A_64] : memref<81920xf32, #tpu.memory_space<vmem>> -> memref<40960xf32, #tpu.memory_space<vmem>>
        %dma_wait3A_66 = arith.constant 0 : i32
        %dma_wait3A_67 = tpu.memref_slice %arg8[%dma_wait3A_66] : memref<32768000xf32, #tpu.memory_space<hbm>> -> memref<40960xf32, #tpu.memory_space<hbm>>
        %dma_wait3A_68 = arith.constant 0 : i32
        %dma_wait3A_69 = tpu.memref_slice %arg8[%dma_wait3A_68] : memref<32768000xf32, #tpu.memory_space<hbm>> -> memref<40960xf32, #tpu.memory_space<hbm>>
        %dma_wait3A_70 = arith.constant 0 : i32
        %dma_wait3A_71 = tpu.memref_slice %arg10[%dma_wait3A_70] : memref<81920xf32, #tpu.memory_space<vmem>> -> memref<40960xf32, #tpu.memory_space<vmem>>
        tpu.wait_dma2 semaphore(%arg13 : memref<!tpu.dma_semaphore, #tpu.memory_space<semaphore_mem>>) src(%dma_wait3A_71 : memref<40960xf32, #tpu.memory_space<vmem>>) dst(%dma_wait3A_69 : memref<40960xf32, #tpu.memory_space<hbm>>)
      } else {
      }
      %parallel_loop3A = arith.constant 0 : i32
      %parallel_loop3A_52 = arith.constant 128 : i32
      %parallel_loop3A_53 = arith.constant 1 : i32
      scf.for %parallel_loop3A_64 = %parallel_loop3A to %parallel_loop3A_52 step %parallel_loop3A_53  : i32 {
        %parallel_loop3A_65 = arith.constant 128 : i32
        %parallel_loop3A_66 = arith.muli %scan3A_38, %parallel_loop3A_65 : i32
        %parallel_loop3A_67 = arith.addi %parallel_loop3A_66, %parallel_loop3A_64 : i32
        %parallel_loop3A_68 = arith.addi %mul3A_49, %parallel_loop3A_64 : i32
        %parallel_loop3A_69 = arith.constant 320 : i32
        %parallel_loop3A_70 = arith.muli %parallel_loop3A_68, %parallel_loop3A_69 : i32
        %parallel_loop3A_71 = arith.constant 5 : i32
        %parallel_loop3A_72 = arith.muli %parallel_loop3A_67, %parallel_loop3A_71 : i32
        %parallel_loop3A_73 = vector.broadcast %parallel_loop3A_72 : i32 to vector<16xi32>
        %parallel_loop3A_74 = arith.addi %iota3A, %parallel_loop3A_73 : vector<16xi32>
        %parallel_loop3A_75 = tpu.vector_load_idx %arg9[%parallel_loop3A_74] : memref<16000xi32, #tpu.memory_space<vmem>>[vector<16xi32>], vector<16xi32>,
        %parallel_loop3A_76 = vector.extract_strided_slice %parallel_loop3A_75 {offsets = [1], sizes = [1], strides = [1]} : vector<16xi32> to vector<1xi32>
        %parallel_loop3A_77 = vector.extract %parallel_loop3A_76[0] : i32 from vector<1xi32>
        %parallel_loop3A_78 = arith.constant 64 : i32
        %parallel_loop3A_79 = arith.muli %parallel_loop3A_77, %parallel_loop3A_78 : i32
        %parallel_loop3A_80 = arith.constant 0 : i32
        %parallel_loop3A_81 = arith.addi %parallel_loop3A_79, %parallel_loop3A_80 : i32
        %parallel_loop3A_82 = arith.constant 0 : i32
        %parallel_loop3A_83 = arith.addi %parallel_loop3A_70, %parallel_loop3A_82 : i32
        %parallel_loop3A_84 = arith.constant 0 : i32
        %parallel_loop3A_85 = arith.addi %parallel_loop3A_81, %parallel_loop3A_84 : i32
        %parallel_loop3A_86 = arith.index_cast %parallel_loop3A_85 : i32 to index
        %parallel_loop3A_87 = tpu.vector_load %arg11[%parallel_loop3A_86] {strides = array<i32>} : memref<4736xf32, #tpu.memory_space<vmem>>, vector<16xf32>,
        %parallel_loop3A_88 = arith.constant 0 : i32
        %parallel_loop3A_89 = arith.addi %parallel_loop3A_83, %parallel_loop3A_88 : i32
        %parallel_loop3A_90 = arith.index_cast %parallel_loop3A_89 : i32 to index
        %parallel_loop3A_91 = tpu.vector_load %arg10[%parallel_loop3A_90] {strides = array<i32>} : memref<81920xf32, #tpu.memory_space<vmem>>, vector<16xf32>,
        tpu.vector_store %arg10[%parallel_loop3A_90], %parallel_loop3A_87 {strides = array<i32>} : memref<81920xf32, #tpu.memory_space<vmem>>, vector<16xf32>,
        %parallel_loop3A_92 = arith.constant 16 : i32
        %parallel_loop3A_93 = arith.addi %parallel_loop3A_81, %parallel_loop3A_92 : i32
        %parallel_loop3A_94 = arith.index_cast %parallel_loop3A_93 : i32 to index
        %parallel_loop3A_95 = tpu.vector_load %arg11[%parallel_loop3A_94] {strides = array<i32>} : memref<4736xf32, #tpu.memory_space<vmem>>, vector<16xf32>,
        %parallel_loop3A_96 = arith.constant 16 : i32
        %parallel_loop3A_97 = arith.addi %parallel_loop3A_83, %parallel_loop3A_96 : i32
        %parallel_loop3A_98 = arith.index_cast %parallel_loop3A_97 : i32 to index
        %parallel_loop3A_99 = tpu.vector_load %arg10[%parallel_loop3A_98] {strides = array<i32>} : memref<81920xf32, #tpu.memory_space<vmem>>, vector<16xf32>,
        tpu.vector_store %arg10[%parallel_loop3A_98], %parallel_loop3A_95 {strides = array<i32>} : memref<81920xf32, #tpu.memory_space<vmem>>, vector<16xf32>,
        %parallel_loop3A_100 = arith.constant 32 : i32
        %parallel_loop3A_101 = arith.addi %parallel_loop3A_81, %parallel_loop3A_100 : i32
        %parallel_loop3A_102 = arith.index_cast %parallel_loop3A_101 : i32 to index
        %parallel_loop3A_103 = tpu.vector_load %arg11[%parallel_loop3A_102] {strides = array<i32>} : memref<4736xf32, #tpu.memory_space<vmem>>, vector<16xf32>,
        %parallel_loop3A_104 = arith.constant 32 : i32
        %parallel_loop3A_105 = arith.addi %parallel_loop3A_83, %parallel_loop3A_104 : i32
        %parallel_loop3A_106 = arith.index_cast %parallel_loop3A_105 : i32 to index
        %parallel_loop3A_107 = tpu.vector_load %arg10[%parallel_loop3A_106] {strides = array<i32>} : memref<81920xf32, #tpu.memory_space<vmem>>, vector<16xf32>,
        tpu.vector_store %arg10[%parallel_loop3A_106], %parallel_loop3A_103 {strides = array<i32>} : memref<81920xf32, #tpu.memory_space<vmem>>, vector<16xf32>,
        %parallel_loop3A_108 = arith.constant 48 : i32
        %parallel_loop3A_109 = arith.addi %parallel_loop3A_81, %parallel_loop3A_108 : i32
        %parallel_loop3A_110 = arith.index_cast %parallel_loop3A_109 : i32 to index
        %parallel_loop3A_111 = tpu.vector_load %arg11[%parallel_loop3A_110] {strides = array<i32>} : memref<4736xf32, #tpu.memory_space<vmem>>, vector<16xf32>,
        %parallel_loop3A_112 = arith.constant 48 : i32
        %parallel_loop3A_113 = arith.addi %parallel_loop3A_83, %parallel_loop3A_112 : i32
        %parallel_loop3A_114 = arith.index_cast %parallel_loop3A_113 : i32 to index
        %parallel_loop3A_115 = tpu.vector_load %arg10[%parallel_loop3A_114] {strides = array<i32>} : memref<81920xf32, #tpu.memory_space<vmem>>, vector<16xf32>,
        tpu.vector_store %arg10[%parallel_loop3A_114], %parallel_loop3A_111 {strides = array<i32>} : memref<81920xf32, #tpu.memory_space<vmem>>, vector<16xf32>,
        %parallel_loop3A_116 = vector.extract_strided_slice %parallel_loop3A_75 {offsets = [2], sizes = [1], strides = [1]} : vector<16xi32> to vector<1xi32>
        %parallel_loop3A_117 = vector.extract %parallel_loop3A_116[0] : i32 from vector<1xi32>
        %parallel_loop3A_118 = arith.constant 64 : i32
        %parallel_loop3A_119 = arith.muli %parallel_loop3A_117, %parallel_loop3A_118 : i32
        %parallel_loop3A_120 = arith.constant 768 : i32
        %parallel_loop3A_121 = arith.addi %parallel_loop3A_119, %parallel_loop3A_120 : i32
        %parallel_loop3A_122 = arith.constant 64 : i32
        %parallel_loop3A_123 = arith.addi %parallel_loop3A_70, %parallel_loop3A_122 : i32
        %parallel_loop3A_124 = arith.constant 0 : i32
        %parallel_loop3A_125 = arith.addi %parallel_loop3A_121, %parallel_loop3A_124 : i32
        %parallel_loop3A_126 = arith.index_cast %parallel_loop3A_125 : i32 to index
        %parallel_loop3A_127 = tpu.vector_load %arg11[%parallel_loop3A_126] {strides = array<i32>} : memref<4736xf32, #tpu.memory_space<vmem>>, vector<16xf32>,
        %parallel_loop3A_128 = arith.constant 0 : i32
        %parallel_loop3A_129 = arith.addi %parallel_loop3A_123, %parallel_loop3A_128 : i32
        %parallel_loop3A_130 = arith.index_cast %parallel_loop3A_129 : i32 to index
        %parallel_loop3A_131 = tpu.vector_load %arg10[%parallel_loop3A_130] {strides = array<i32>} : memref<81920xf32, #tpu.memory_space<vmem>>, vector<16xf32>,
        tpu.vector_store %arg10[%parallel_loop3A_130], %parallel_loop3A_127 {strides = array<i32>} : memref<81920xf32, #tpu.memory_space<vmem>>, vector<16xf32>,
        %parallel_loop3A_132 = arith.constant 16 : i32
        %parallel_loop3A_133 = arith.addi %parallel_loop3A_121, %parallel_loop3A_132 : i32
        %parallel_loop3A_134 = arith.index_cast %parallel_loop3A_133 : i32 to index
        %parallel_loop3A_135 = tpu.vector_load %arg11[%parallel_loop3A_134] {strides = array<i32>} : memref<4736xf32, #tpu.memory_space<vmem>>, vector<16xf32>,
        %parallel_loop3A_136 = arith.constant 16 : i32
        %parallel_loop3A_137 = arith.addi %parallel_loop3A_123, %parallel_loop3A_136 : i32
        %parallel_loop3A_138 = arith.index_cast %parallel_loop3A_137 : i32 to index
        %parallel_loop3A_139 = tpu.vector_load %arg10[%parallel_loop3A_138] {strides = array<i32>} : memref<81920xf32, #tpu.memory_space<vmem>>, vector<16xf32>,
        tpu.vector_store %arg10[%parallel_loop3A_138], %parallel_loop3A_135 {strides = array<i32>} : memref<81920xf32, #tpu.memory_space<vmem>>, vector<16xf32>,
        %parallel_loop3A_140 = arith.constant 32 : i32
        %parallel_loop3A_141 = arith.addi %parallel_loop3A_121, %parallel_loop3A_140 : i32
        %parallel_loop3A_142 = arith.index_cast %parallel_loop3A_141 : i32 to index
        %parallel_loop3A_143 = tpu.vector_load %arg11[%parallel_loop3A_142] {strides = array<i32>} : memref<4736xf32, #tpu.memory_space<vmem>>, vector<16xf32>,
        %parallel_loop3A_144 = arith.constant 32 : i32
        %parallel_loop3A_145 = arith.addi %parallel_loop3A_123, %parallel_loop3A_144 : i32
        %parallel_loop3A_146 = arith.index_cast %parallel_loop3A_145 : i32 to index
        %parallel_loop3A_147 = tpu.vector_load %arg10[%parallel_loop3A_146] {strides = array<i32>} : memref<81920xf32, #tpu.memory_space<vmem>>, vector<16xf32>,
        tpu.vector_store %arg10[%parallel_loop3A_146], %parallel_loop3A_143 {strides = array<i32>} : memref<81920xf32, #tpu.memory_space<vmem>>, vector<16xf32>,
        %parallel_loop3A_148 = arith.constant 48 : i32
        %parallel_loop3A_149 = arith.addi %parallel_loop3A_121, %parallel_loop3A_148 : i32
        %parallel_loop3A_150 = arith.index_cast %parallel_loop3A_149 : i32 to index
        %parallel_loop3A_151 = tpu.vector_load %arg11[%parallel_loop3A_150] {strides = array<i32>} : memref<4736xf32, #tpu.memory_space<vmem>>, vector<16xf32>,
        %parallel_loop3A_152 = arith.constant 48 : i32
        %parallel_loop3A_153 = arith.addi %parallel_loop3A_123, %parallel_loop3A_152 : i32
        %parallel_loop3A_154 = arith.index_cast %parallel_loop3A_153 : i32 to index
        %parallel_loop3A_155 = tpu.vector_load %arg10[%parallel_loop3A_154] {strides = array<i32>} : memref<81920xf32, #tpu.memory_space<vmem>>, vector<16xf32>,
        tpu.vector_store %arg10[%parallel_loop3A_154], %parallel_loop3A_151 {strides = array<i32>} : memref<81920xf32, #tpu.memory_space<vmem>>, vector<16xf32>,
        %parallel_loop3A_156 = vector.extract_strided_slice %parallel_loop3A_75 {offsets = [3], sizes = [1], strides = [1]} : vector<16xi32> to vector<1xi32>
        %parallel_loop3A_157 = vector.extract %parallel_loop3A_156[0] : i32 from vector<1xi32>
        %parallel_loop3A_158 = arith.constant 64 : i32
        %parallel_loop3A_159 = arith.muli %parallel_loop3A_157, %parallel_loop3A_158 : i32
        %parallel_loop3A_160 = arith.constant 2752 : i32
        %parallel_loop3A_161 = arith.addi %parallel_loop3A_159, %parallel_loop3A_160 : i32
        %parallel_loop3A_162 = arith.constant 128 : i32
        %parallel_loop3A_163 = arith.addi %parallel_loop3A_70, %parallel_loop3A_162 : i32
        %parallel_loop3A_164 = arith.constant 0 : i32
        %parallel_loop3A_165 = arith.addi %parallel_loop3A_161, %parallel_loop3A_164 : i32
        %parallel_loop3A_166 = arith.index_cast %parallel_loop3A_165 : i32 to index
        %parallel_loop3A_167 = tpu.vector_load %arg11[%parallel_loop3A_166] {strides = array<i32>} : memref<4736xf32, #tpu.memory_space<vmem>>, vector<16xf32>,
        %parallel_loop3A_168 = arith.constant 0 : i32
        %parallel_loop3A_169 = arith.addi %parallel_loop3A_163, %parallel_loop3A_168 : i32
        %parallel_loop3A_170 = arith.index_cast %parallel_loop3A_169 : i32 to index
        %parallel_loop3A_171 = tpu.vector_load %arg10[%parallel_loop3A_170] {strides = array<i32>} : memref<81920xf32, #tpu.memory_space<vmem>>, vector<16xf32>,
        tpu.vector_store %arg10[%parallel_loop3A_170], %parallel_loop3A_167 {strides = array<i32>} : memref<81920xf32, #tpu.memory_space<vmem>>, vector<16xf32>,
        %parallel_loop3A_172 = arith.constant 16 : i32
        %parallel_loop3A_173 = arith.addi %parallel_loop3A_161, %parallel_loop3A_172 : i32
        %parallel_loop3A_174 = arith.index_cast %parallel_loop3A_173 : i32 to index
        %parallel_loop3A_175 = tpu.vector_load %arg11[%parallel_loop3A_174] {strides = array<i32>} : memref<4736xf32, #tpu.memory_space<vmem>>, vector<16xf32>,
        %parallel_loop3A_176 = arith.constant 16 : i32
        %parallel_loop3A_177 = arith.addi %parallel_loop3A_163, %parallel_loop3A_176 : i32
        %parallel_loop3A_178 = arith.index_cast %parallel_loop3A_177 : i32 to index
        %parallel_loop3A_179 = tpu.vector_load %arg10[%parallel_loop3A_178] {strides = array<i32>} : memref<81920xf32, #tpu.memory_space<vmem>>, vector<16xf32>,
        tpu.vector_store %arg10[%parallel_loop3A_178], %parallel_loop3A_175 {strides = array<i32>} : memref<81920xf32, #tpu.memory_space<vmem>>, vector<16xf32>,
        %parallel_loop3A_180 = arith.constant 32 : i32
        %parallel_loop3A_181 = arith.addi %parallel_loop3A_161, %parallel_loop3A_180 : i32
        %parallel_loop3A_182 = arith.index_cast %parallel_loop3A_181 : i32 to index
        %parallel_loop3A_183 = tpu.vector_load %arg11[%parallel_loop3A_182] {strides = array<i32>} : memref<4736xf32, #tpu.memory_space<vmem>>, vector<16xf32>,
        %parallel_loop3A_184 = arith.constant 32 : i32
        %parallel_loop3A_185 = arith.addi %parallel_loop3A_163, %parallel_loop3A_184 : i32
        %parallel_loop3A_186 = arith.index_cast %parallel_loop3A_185 : i32 to index
        %parallel_loop3A_187 = tpu.vector_load %arg10[%parallel_loop3A_186] {strides = array<i32>} : memref<81920xf32, #tpu.memory_space<vmem>>, vector<16xf32>,
        tpu.vector_store %arg10[%parallel_loop3A_186], %parallel_loop3A_183 {strides = array<i32>} : memref<81920xf32, #tpu.memory_space<vmem>>, vector<16xf32>,
        %parallel_loop3A_188 = arith.constant 48 : i32
        %parallel_loop3A_189 = arith.addi %parallel_loop3A_161, %parallel_loop3A_188 : i32
        %parallel_loop3A_190 = arith.index_cast %parallel_loop3A_189 : i32 to index
        %parallel_loop3A_191 = tpu.vector_load %arg11[%parallel_loop3A_190] {strides = array<i32>} : memref<4736xf32, #tpu.memory_space<vmem>>, vector<16xf32>,
        %parallel_loop3A_192 = arith.constant 48 : i32
        %parallel_loop3A_193 = arith.addi %parallel_loop3A_163, %parallel_loop3A_192 : i32
        %parallel_loop3A_194 = arith.index_cast %parallel_loop3A_193 : i32 to index
        %parallel_loop3A_195 = tpu.vector_load %arg10[%parallel_loop3A_194] {strides = array<i32>} : memref<81920xf32, #tpu.memory_space<vmem>>, vector<16xf32>,
        tpu.vector_store %arg10[%parallel_loop3A_194], %parallel_loop3A_191 {strides = array<i32>} : memref<81920xf32, #tpu.memory_space<vmem>>, vector<16xf32>,
        %parallel_loop3A_196 = vector.extract_strided_slice %parallel_loop3A_75 {offsets = [4], sizes = [1], strides = [1]} : vector<16xi32> to vector<1xi32>
        %parallel_loop3A_197 = vector.extract %parallel_loop3A_196[0] : i32 from vector<1xi32>
        %parallel_loop3A_198 = arith.constant 64 : i32
        %parallel_loop3A_199 = arith.muli %parallel_loop3A_197, %parallel_loop3A_198 : i32
        %parallel_loop3A_200 = arith.constant 4288 : i32
        %parallel_loop3A_201 = arith.addi %parallel_loop3A_199, %parallel_loop3A_200 : i32
        %parallel_loop3A_202 = arith.constant 192 : i32
        %parallel_loop3A_203 = arith.addi %parallel_loop3A_70, %parallel_loop3A_202 : i32
        %parallel_loop3A_204 = arith.constant 0 : i32
        %parallel_loop3A_205 = arith.addi %parallel_loop3A_201, %parallel_loop3A_204 : i32
        %parallel_loop3A_206 = arith.index_cast %parallel_loop3A_205 : i32 to index
        %parallel_loop3A_207 = tpu.vector_load %arg11[%parallel_loop3A_206] {strides = array<i32>} : memref<4736xf32, #tpu.memory_space<vmem>>, vector<16xf32>,
        %parallel_loop3A_208 = arith.constant 0 : i32
        %parallel_loop3A_209 = arith.addi %parallel_loop3A_203, %parallel_loop3A_208 : i32
        %parallel_loop3A_210 = arith.index_cast %parallel_loop3A_209 : i32 to index
        %parallel_loop3A_211 = tpu.vector_load %arg10[%parallel_loop3A_210] {strides = array<i32>} : memref<81920xf32, #tpu.memory_space<vmem>>, vector<16xf32>,
        tpu.vector_store %arg10[%parallel_loop3A_210], %parallel_loop3A_207 {strides = array<i32>} : memref<81920xf32, #tpu.memory_space<vmem>>, vector<16xf32>,
        %parallel_loop3A_212 = arith.constant 16 : i32
        %parallel_loop3A_213 = arith.addi %parallel_loop3A_201, %parallel_loop3A_212 : i32
        %parallel_loop3A_214 = arith.index_cast %parallel_loop3A_213 : i32 to index
        %parallel_loop3A_215 = tpu.vector_load %arg11[%parallel_loop3A_214] {strides = array<i32>} : memref<4736xf32, #tpu.memory_space<vmem>>, vector<16xf32>,
        %parallel_loop3A_216 = arith.constant 16 : i32
        %parallel_loop3A_217 = arith.addi %parallel_loop3A_203, %parallel_loop3A_216 : i32
        %parallel_loop3A_218 = arith.index_cast %parallel_loop3A_217 : i32 to index
        %parallel_loop3A_219 = tpu.vector_load %arg10[%parallel_loop3A_218] {strides = array<i32>} : memref<81920xf32, #tpu.memory_space<vmem>>, vector<16xf32>,
        tpu.vector_store %arg10[%parallel_loop3A_218], %parallel_loop3A_215 {strides = array<i32>} : memref<81920xf32, #tpu.memory_space<vmem>>, vector<16xf32>,
        %parallel_loop3A_220 = arith.constant 32 : i32
        %parallel_loop3A_221 = arith.addi %parallel_loop3A_201, %parallel_loop3A_220 : i32
        %parallel_loop3A_222 = arith.index_cast %parallel_loop3A_221 : i32 to index
        %parallel_loop3A_223 = tpu.vector_load %arg11[%parallel_loop3A_222] {strides = array<i32>} : memref<4736xf32, #tpu.memory_space<vmem>>, vector<16xf32>,
        %parallel_loop3A_224 = arith.constant 32 : i32
        %parallel_loop3A_225 = arith.addi %parallel_loop3A_203, %parallel_loop3A_224 : i32
        %parallel_loop3A_226 = arith.index_cast %parallel_loop3A_225 : i32 to index
        %parallel_loop3A_227 = tpu.vector_load %arg10[%parallel_loop3A_226] {strides = array<i32>} : memref<81920xf32, #tpu.memory_space<vmem>>, vector<16xf32>,
        tpu.vector_store %arg10[%parallel_loop3A_226], %parallel_loop3A_223 {strides = array<i32>} : memref<81920xf32, #tpu.memory_space<vmem>>, vector<16xf32>,
        %parallel_loop3A_228 = arith.constant 48 : i32
        %parallel_loop3A_229 = arith.addi %parallel_loop3A_201, %parallel_loop3A_228 : i32
        %parallel_loop3A_230 = arith.index_cast %parallel_loop3A_229 : i32 to index
        %parallel_loop3A_231 = tpu.vector_load %arg11[%parallel_loop3A_230] {strides = array<i32>} : memref<4736xf32, #tpu.memory_space<vmem>>, vector<16xf32>,
        %parallel_loop3A_232 = arith.constant 48 : i32
        %parallel_loop3A_233 = arith.addi %parallel_loop3A_203, %parallel_loop3A_232 : i32
        %parallel_loop3A_234 = arith.index_cast %parallel_loop3A_233 : i32 to index
        %parallel_loop3A_235 = tpu.vector_load %arg10[%parallel_loop3A_234] {strides = array<i32>} : memref<81920xf32, #tpu.memory_space<vmem>>, vector<16xf32>,
        tpu.vector_store %arg10[%parallel_loop3A_234], %parallel_loop3A_231 {strides = array<i32>} : memref<81920xf32, #tpu.memory_space<vmem>>, vector<16xf32>,
      } {sc.loop_unroll_factor = 4 : i64, sc.parallel_access}
      %mul3A_54 = arith.constant 320 : i32
      %mul3A_55 = arith.muli %mul3A_49, %mul3A_54 : i32
      %mul3A_56 = arith.constant 128 : i32
      %mul3A_57 = arith.muli %scan3A_38, %mul3A_56 : i32
      %add3A_58 = arith.addi %mul3A_2, %mul3A_57 : i32
      %mul3A_59 = arith.constant 320 : i32
      %mul3A_60 = arith.muli %add3A_58, %mul3A_59 : i32
      %dma_start3A = tpu.memref_slice %arg10[%mul3A_55] : memref<81920xf32, #tpu.memory_space<vmem>> -> memref<40960xf32, #tpu.memory_space<vmem>>
      %dma_start3A_61 = tpu.memref_slice %arg8[%mul3A_60] : memref<32768000xf32, #tpu.memory_space<hbm>> -> memref<40960xf32, #tpu.memory_space<hbm>>
      %dma_start3A_62 = tpu.memref_slice %arg8[%mul3A_60] : memref<32768000xf32, #tpu.memory_space<hbm>> -> memref<40960xf32, #tpu.memory_space<hbm>>
      %dma_start3A_63 = tpu.memref_slice %arg10[%mul3A_55] : memref<81920xf32, #tpu.memory_space<vmem>> -> memref<40960xf32, #tpu.memory_space<vmem>>
      tpu.enqueue_dma source(%dma_start3A_63 : memref<40960xf32, #tpu.memory_space<vmem>>) target(%dma_start3A_62 : memref<40960xf32, #tpu.memory_space<hbm>>) target_semaphore(%arg13 : memref<!tpu.dma_semaphore, #tpu.memory_space<semaphore_mem>>)
    }
    %scan3A_22 = arith.constant 25 : i32
    %dma_wait3A = arith.constant 0 : i32
    %dma_wait3A_23 = tpu.memref_slice %arg10[%dma_wait3A] : memref<81920xf32, #tpu.memory_space<vmem>> -> memref<40960xf32, #tpu.memory_space<vmem>>
    %dma_wait3A_24 = arith.constant 0 : i32
    %dma_wait3A_25 = tpu.memref_slice %arg8[%dma_wait3A_24] : memref<32768000xf32, #tpu.memory_space<hbm>> -> memref<40960xf32, #tpu.memory_space<hbm>>
    %dma_wait3A_26 = arith.constant 0 : i32
    %dma_wait3A_27 = tpu.memref_slice %arg8[%dma_wait3A_26] : memref<32768000xf32, #tpu.memory_space<hbm>> -> memref<40960xf32, #tpu.memory_space<hbm>>
    %dma_wait3A_28 = arith.constant 0 : i32
    %dma_wait3A_29 = tpu.memref_slice %arg10[%dma_wait3A_28] : memref<81920xf32, #tpu.memory_space<vmem>> -> memref<40960xf32, #tpu.memory_space<vmem>>
    tpu.wait_dma2 semaphore(%arg13 : memref<!tpu.dma_semaphore, #tpu.memory_space<semaphore_mem>>) src(%dma_wait3A_29 : memref<40960xf32, #tpu.memory_space<vmem>>) dst(%dma_wait3A_27 : memref<40960xf32, #tpu.memory_space<hbm>>)
    %dma_wait3A_30 = arith.constant 0 : i32
    %dma_wait3A_31 = tpu.memref_slice %arg10[%dma_wait3A_30] : memref<81920xf32, #tpu.memory_space<vmem>> -> memref<40960xf32, #tpu.memory_space<vmem>>
    %dma_wait3A_32 = arith.constant 0 : i32
    %dma_wait3A_33 = tpu.memref_slice %arg8[%dma_wait3A_32] : memref<32768000xf32, #tpu.memory_space<hbm>> -> memref<40960xf32, #tpu.memory_space<hbm>>
    %dma_wait3A_34 = arith.constant 0 : i32
    %dma_wait3A_35 = tpu.memref_slice %arg8[%dma_wait3A_34] : memref<32768000xf32, #tpu.memory_space<hbm>> -> memref<40960xf32, #tpu.memory_space<hbm>>
    %dma_wait3A_36 = arith.constant 0 : i32
    %dma_wait3A_37 = tpu.memref_slice %arg10[%dma_wait3A_36] : memref<81920xf32, #tpu.memory_space<vmem>> -> memref<40960xf32, #tpu.memory_space<vmem>>
    tpu.wait_dma2 semaphore(%arg13 : memref<!tpu.dma_semaphore, #tpu.memory_space<semaphore_mem>>) src(%dma_wait3A_37 : memref<40960xf32, #tpu.memory_space<vmem>>) dst(%dma_wait3A_35 : memref<40960xf32, #tpu.memory_space<hbm>>)
    return
  }
}

</mosaic_0001>

<sc_bundles>
// kernel: kernel.4.cloned.1.call-start
scs
__scs_entry_jumppad:
0x0: {  	(pc) =	sbr.rel $0x88, $3  }
0x1: {  	(tag) =	ssettag $0x0;
	lr =	simm.s32 $0x1  }
0x2: {  	[smem:$0x3F9B] =	sst lr;
	_ =	strace $0xD0000000  }
0x3: {  	_ = 	snop  }
0x4: {  	_ = 	snop  }
0x5: {  	_ = 	snop  }
0x6: {  	_ = 	snop  }
0x7: {  	_ = 	snop  }
__scs_overlays_trampoline_lowered:
0x8: {  	[smem:$0x3FAA] =	sst s0  }
0x9: {  	[smem:$0x3FAB] =	sst s1  }
0xa: {  	[smem:$0x3FAC] =	sst s2  }
0xb: {  	[smem:$0x3FAD] =	sst s3  }
0xc: {  	[smem:$0x3FAE] =	sst s4  }
0xd: {  	[smem:$0x3FAF] =	sst s5  }
0xe: {  	[smem:$0x3FB0] =	sst s6  }
0xf: {  	[smem:$0x3FB1] =	sst s7  }
0x10: {  	[smem:$0x3FB2] =	sst s8  }
0x11: {  	[smem:$0x3FB3] =	sst s9;
	s0 =	simm.s32 @!p0 $0x0  }
0x12: {  	s1 =	sld [smem:$0x3F99];
	s0 =	simm.s32 @p0 $0x1  }
0x13: {  	[smem:$0x3FB4] =	sst s0;
	s0 =	simm.s32 @!p1 $0x0  }
0x14: {  	s2 =	sld [smem:$0x3F98];
	s0 =	simm.s32 @p1 $0x1  }
0x15: {  	[smem:$0x3FB5] =	sst s0;
	s0 =	simm.s32 @!p2 $0x0  }
0x16: {  	s3 =	sld [smem:$0x3FDB];
	s0 =	simm.s32 @p2 $0x1  }
0x17: {  	s4 =	simm.s32 $0x1BF5;
	[smem:$0x3FB7] =	sst s0  }
0x18: {  	s0 =	sld [smem:$0x3F9A];
	_ =	swait.ge [sflag:s4], $0x0  }
0x19: {  	s7 =	sld [smem:$0x3F9B]  }
0x1a: {  	s8 =	sadd.s32 $0xFFFFE003, lr  }
0x1b: {  	s9 =	sadd.s32 $0xFFFFFEF7, lr;
	s5 =	simm.s32 $0xFFFFFFFF;
	p2 =	slt.u32 s8, $0xFFFFF086  }
0x1c: {  	p1 =	slt.u32 s9, $0xF7A;
	s5 =	simm.s32 @!p2 $0x0  }
0x1d: {  	s5 =	simm.s32 @p1 $0x1;
	p0 =	seq.s32 s7, s2  }
0x1e: {  	s7 =	smul.u32 @!p0 $0xF7A, s2;
	p2 =	seq.s32 @!p0 s5, $0x0  }
0x1f: {  	s9 =	smul.u32 $0xF7A, s1;
	s8 =	simm.s32 @!p0 $0x1BF5;
	p2 =	por !p2, p0  }
0x20: {  	[sflag:s8] =	ssyncset.s32 @!p0 $0xFFFFF086;
	s6 =	sadd.s32 @!p0 s3, s7;
	s7 =	simm.s32 @!p0 $0x108  }
0x21: {  	s3 =	sadd.s32 s3, s9;
	s6 =	sadd.s32 @!p0 $0x88, s6;
	s7 =	simm.s32 @p2 $0x1082  }
0x22: {  	[simem:s7], [sflag:s8] =	dma.local @!p0 [hbm:s6], $0xF7A  }
0x23: {  	s9 =	sor.u32 $0xD0000000, s2;
	s6 =	simm.s32 $0x108;
	_ =	swait.ge @!p0 [sflag:s8], $0x0  }
0x24: {  	s3 =	sadd.s32 $0x88, s3;
	s6 =	simm.s32 @!p1 $0x1082;
	[sflag:s4] =	ssyncset.s32 $0xFFFFF086  }
0x25: {  	[simem:s6], [sflag:s4] =	dma.local [hbm:s3], $0xF7A  }
0x26: {  	[smem:$0x3F9B] =	sst s1;
	(tag) =	ssettag s2;
	_ =	strace s9  }
0x27: {  	s1 =	sld [smem:$0x3FAB]  }
0x28: {  	s2 =	sld [smem:$0x3FAC]  }
0x29: {  	s4 =	sld [smem:$0x3FAE]  }
0x2a: {  	p0 =	seq.s32 s5, $0x0;
	s5 =	sld [smem:$0x3FAF]  }
0x2b: {  	s6 =	sld [smem:$0x3FB0]  }
0x2c: {  	s7 =	sld [smem:$0x3FB1]  }
0x2d: {  	s3 =	simm.s32 $0x108;
	s8 =	sld [smem:$0x3FB2]  }
0x2e: {  	s3 =	simm.s32 @!p0 $0x1082;
	s9 =	sld [smem:$0x3FB3]  }
0x2f: {  	lr =	sadd.s32 s0, s3;
	s0 =	sld [smem:$0x3FAA]  }
0x30: {  	s3 =	sld [smem:$0x3FAD]  }
0x31: {  	[smem:$0x3FB6] =	sst s10  }
0x32: {  	s10 =	sld [smem:$0x3FB4];
	_ =	sdelay $0x3  }
0x33: {  	p0 =	seq.s32 s10, $0x1;
	s10 =	sld [smem:$0x3FB6];
	_ =	sdelay $0x3  }
0x34: {  	[smem:$0x3FB6] =	sst s10  }
0x35: {  	s10 =	sld [smem:$0x3FB5];
	_ =	sdelay $0x3  }
0x36: {  	p1 =	seq.s32 s10, $0x1;
	s10 =	sld [smem:$0x3FB6];
	_ =	sdelay $0x3  }
0x37: {  	[smem:$0x3FB6] =	sst s10  }
0x38: {  	s10 =	sld [smem:$0x3FB7]  }
0x39: {  	_ = 	snop;
	(pc) =	sbr.ind lr, $3  }
0x3a: {  	_ = 	snop  }
0x3b: {  	_ = 	snop  }
0x3c: {  	p2 =	seq.s32 s10, $0x1;
	s10 =	sld [smem:$0x3FB6]  }
0x3d: {  	_ =	shalt  }
0x3e: {  	_ =	shalt  }
0x3f: {  	_ =	shalt  }
0x40: {  	_ =	shalt  }
0x41: {  	_ =	shalt  }
0x42: {  	_ =	shalt  }
0x43: {  	_ =	shalt  }
0x44: {  	_ =	shalt  }
0x45: {  	_ =	shalt  }
0x46: {  	_ =	shalt  }
0x47: {  	_ =	shalt  }
0x48: {  	_ =	shalt  }
0x49: {  	_ =	shalt  }
0x4a: {  	_ =	shalt  }
0x4b: {  	_ =	shalt  }
0x4c: {  	_ =	shalt  }
0x4d: {  	_ =	shalt  }
0x4e: {  	_ =	shalt  }
0x4f: {  	_ =	shalt  }
0x50: {  	_ =	shalt  }
0x51: {  	_ =	shalt  }
0x52: {  	_ =	shalt  }
0x53: {  	_ =	shalt  }
0x54: {  	_ =	shalt  }
0x55: {  	_ =	shalt  }
0x56: {  	_ =	shalt  }
0x57: {  	_ =	shalt  }
0x58: {  	_ =	shalt  }
0x59: {  	_ =	shalt  }
0x5a: {  	_ =	shalt  }
0x5b: {  	_ =	shalt  }
0x5c: {  	_ =	shalt  }
0x5d: {  	_ =	shalt  }
0x5e: {  	_ =	shalt  }
0x5f: {  	_ =	shalt  }
0x60: {  	_ =	shalt  }
0x61: {  	_ =	shalt  }
0x62: {  	_ =	shalt  }
0x63: {  	_ =	shalt  }
0x64: {  	_ =	shalt  }
0x65: {  	_ =	shalt  }
0x66: {  	_ =	shalt  }
0x67: {  	_ =	shalt  }
0x68: {  	_ =	shalt  }
0x69: {  	_ =	shalt  }
0x6a: {  	_ =	shalt  }
0x6b: {  	_ =	shalt  }
0x6c: {  	_ =	shalt  }
0x6d: {  	_ =	shalt  }
0x6e: {  	_ =	shalt  }
0x6f: {  	_ =	shalt  }
0x70: {  	_ =	shalt  }
0x71: {  	_ =	shalt  }
0x72: {  	_ =	shalt  }
0x73: {  	_ =	shalt  }
0x74: {  	_ =	shalt  }
0x75: {  	_ =	shalt  }
0x76: {  	_ =	shalt  }
0x77: {  	_ =	shalt  }
0x78: {  	_ =	shalt  }
0x79: {  	_ =	shalt  }
0x7a: {  	_ =	shalt  }
0x7b: {  	_ =	shalt  }
0x7c: {  	_ =	shalt  }
0x7d: {  	_ =	shalt  }
0x7e: {  	_ =	shalt  }
0x7f: {  	_ =	shalt  }
0x80: {  	_ =	shalt  }
0x81: {  	_ =	shalt  }
0x82: {  	_ =	shalt  }
0x83: {  	_ =	shalt  }
0x84: {  	_ =	shalt  }
0x85: {  	_ =	shalt  }
0x86: {  	_ =	shalt  }
0x87: {  	_ =	shalt  }
.Lfunc_end0:
.L_simem_size_0:
called_computation.1_lowered:
.L_overlay_start_0:
0x88: {  	s2 =	sld [smem:$0x3FD9]  }
0x89: {  	s3 =	sld [smem:$0x3FFE];
	_ =	sdelay $0x1  }
0x8a: {  	s1 =	srdreg.scid  }
0x8b: {  	s0 =	sand.u32 $0x1, s1  }
0x8c: {  	s17 =	sshll.u32 s0, $0xA;
	s2 =	sadd.s32 s3, s2  }
0x8d: {  	s2 =	sadd.s32 s2, s17  }
0x8e: {  	[smem:$0x3FC2] =	sst s2  }
0x8f: {  	_ = 	snop  }
0x90: {  	(tm) =	ssettm $0x1  }
0x91: {  	s18 =	sld [smem:$0x3FFB];
	_ =	sdelay $0x3  }
0x92: {  	_ =	strace s18  }
0x93: {  	s2 =	sld [smem:$0x3FFC];
	_ =	sdelay $0x3  }
0x94: {  	_ =	strace s2  }
0x95: {  	s2 =	sld [smem:$0x3FFD];
	_ =	sdelay $0x3  }
0x96: {  	_ =	strace s2  }
0x97: {  	_ =	strace $0x8FFFFFFF  }
0x98: {  	s19 =	sld [smem:$0x3FDB];
	_ =	sdelay $0x1  }
0x99: {  	s20 =	simm.s32 $_scs_section_size  }
0x9a: {  	s4 =	simm.s32 $_size__tile_overlayer_lowered;
	s5 =	simm.s32 $_tile_overlayer_lowered  }
0x9b: {  	s6 =	simm.s32 $0x1BFF;
	s21 =	sshll.u32 s5, $0x1;
	s3 =	sadd.s32 s20, s19  }
0x9c: {  	s22 =	simm.s32 $0x0;
	s4 =	sshll.u32 s4, $0x1;
	s5 =	sadd.s32 s21, s3  }
0x9d: {  	[timem:s22], [sflag:s6] =	dma.local [hbm:s5], s4  }
0x9e: {  	_ =	swait.ge [sflag:s6], s4  }
0x9f: {  	s4 =	ssub.s32 $0x0, s4;
	[sflag:s6] =	ssyncset.done $0x0  }
0xa0: {  	[sflag:s6] =	ssyncadd.s32 s4;
	_ =	sdelay $0x1  }
0xa1: {  	s23 =	simm.s32 $0x1B8B  }
0xa2: {  	_ =	swait.ge [sflag:s23], $0x1  }
0xa3: {  	[sflag:s23] =	ssyncset.done $0x0  }
0xa4: {  	[sflag:s23] =	ssyncadd.s32 $0xFFFFFFFF  }
0xa5: {  	s4 =	sld [smem:$0x0]  }
0xa6: {  	s5 =	sand.u32 $0xFFFFFFFE, s1  }
0xa7: {  	p0 =	sne.s32 s1, s5  }
0xa8: {  	s5 =	sshll.u32 @p0 s5, $0xE  }
0xa9: {  	s5 =	sadd.s32 @p0 $0x11B8D, s5;
	s6 =	sshll.u32 @p0 s4, $0x11  }
0xaa: {  	s5 =	sor.u32 @p0 s6, s5  }
0xab: {  	[sflag:s5] =	ssyncadd.remote.s32 @p0 $0x1;
	_ =	sdelay $0x1  }
0xac: {  	s5 =	simm.s32 @p0 $0x1B8D  }
0xad: {  	_ =	swait.eq @p0 [sflag:s5], $0x1  }
0xae: {  	[sflag:s5] =	ssyncadd.s32 @p0 $0xFFFFFFFF  }
0xaf: {  	s6 =	sshll.u32 @!p0 s1, $0xE  }
0xb0: {  	s6 =	sor.u32 @!p0 $0x4000, s6;
	s5 =	simm.s32 @!p0 $0x1B8D  }
0xb1: {  	s4 =	sshll.u32 @!p0 s4, $0x11;
	s6 =	sadd.s32 @!p0 $0x11B8D, s6;
	_ =	swait.eq @!p0 [sflag:s5], $0x1  }
0xb2: {  	s4 =	sor.u32 @!p0 s4, s6;
	[sflag:s5] =	ssyncadd.s32 @!p0 $0xFFFFFFFF  }
0xb3: {  	s25 =	simm.s32 $0x1B8E;
	s24 =	sld [smem:$0x3FFE];
	[sflag:s4] =	ssyncadd.remote.s32 @!p0 $0x1  }
0xb4: {  	s26 =	simm.s32 $execute0_lowered;
	[smem:$0x3FD2] =	sst s25  }
0xb5: {  	s5 =	sshll.u32 s26, $0x1;
	_ =	strace $0x80000049;
	[dreg:$0x1] =	wrdreg $0xFFFFFFFF  }
0xb6: {  	s28 =	simm.s32 $_size_execute0_lowered;
	s3 =	sadd.s32 s3, s5;
	[dreg:$0x0] =	wrdreg $0x0  }
0xb7: {  	s5 =	sshll.u32 s28, $0x1;
	[dreg:$0x2] =	wrdreg s3  }
0xb8: {  	[dreg:$0x3] =	wrdreg s5  }
0xb9: {  	[dreg:$0x4] =	wrdreg $0xC0  }
0xba: {  	_ =	task [dreg:s22], $0x5FFFF  }
0xbb: {  	[dreg:$0x1] =	wrdreg $0xFFFFFFFF  }
0xbc: {  	[dreg:$0x0] =	wrdreg $0x60  }
0xbd: {  	[dreg:$0x2] =	wrdreg s24  }
0xbe: {  	[dreg:$0x3] =	wrdreg $0x9  }
0xbf: {  	_ =	task.clear_ibuf [dreg:s22], $0x4FFFF;
	_ =	strace $0x90000049  }
0xc0: {  	s29 =	simm.s32 $0x9;
	_ =	strace $0x8000004B  }
0xc1: {  	_ =	swait.ge [sflag:s29], $0x1  }
0xc2: {  	[sflag:s29] =	ssyncadd.s32 $0xFFFFFFFF  }
0xc3: {  	_ =	strace $0x9000004B  }
0xc4: {  	_ =	sfence  }
0xc5: {  	s30 =	sld [smem:$0x0];
	_ =	sdelay $0x2  }
0xc6: {  	s31 =	sshll.u32 s1, $0xD;
	s1 =	sshrl.u32 s1, $0x2  }
0xc7: {  	s4 =	sand.u32 $0x4000, s31;
	s1 =	sadd.s32 s1, s30  }
0xc8: {  	s0 =	sor.u32 s4, s0;
	s1 =	sshll.u32 s1, $0x11  }
0xc9: {  	s0 =	sor.u32 s1, s0  }
0xca: {  	s0 =	sadd.s32 $0x8F2B, s0  }
0xcb: {  	[sflag:s0] =	ssyncadd.remote.s32 $0x1  }
0xcc: {  	_ =	sfence.sel $0xFFFF  }
0xcd: {  	[dreg:$0x0] =	wrdreg $0xFFFFFFFF;
	(pc) =	sbr.abs _section_cstart, $3  }
0xce: {  	[dreg:$0x1] =	wrdreg $0xFFFFFFFF  }
0xcf: {  	_ =	task.clear_ibuf [dreg:s22], $0x2FFFF;
	_ =	strace $0x9FFFFFFF  }
0xd0: {  	(tm) =	ssettm $0x7FFFFFFF  }
0xd1: {  	_ =	shalt  }
tec
execute0_lowered:
.L_overlay_start_1:
0x0: {  	(tag) =	ssettag $0x1  }
0x1: {  	s0 =	srdreg.scid  }
0x2: {  	s2 =	stileid.u32;
	s1 =	rddreg [dreg:$0x0];
	s0 =	sand.u32 $0x1, s0  }
0x3: {  	s3 =	sshll.u32 s2, $0x1;
	s2 =	simm.s32 $0x0;
	s5 =	sadd.s32 $0x1200, s1  }
0x4: {  	s25 =	sadd.s32 $0x1400, s1;
	s26 =	sadd.s32 $0x1600, s1;
	[smem:$0x7FF] =	sst s2  }
0x5: {  	s28 =	sadd.s32 $0x1000, s1;
	_ =	strace $0x8000004A;
	[dreg:$0x2] =	wrdreg s5  }
0x6: {  	s3 =	sor.u32 s0, s3;
	s0 =	ssub.s32 $0x2, s0;
	[dreg:$0x3] =	wrdreg s25  }
0x7: {  	s4 =	smul.u32 $0x7D0, s3;
	[dreg:$0x4] =	wrdreg s26;
	s30 =	sshrl.u32 s0, $0x1  }
0x8: {  	s29 =	sadd.s32 $0x1800, s1;
	[dreg:$0x5] =	wrdreg s28;
	s0 =	ssub.s32 s0, s30  }
0x9: {  	[dreg:$0x6] =	wrdreg s29;
	s4 =	sadd.s32 s4, s1;
	s0 =	smax.u32 s0, $0x1  }
0xa: {  	s8 =	sadd.s32 $0x408E00, s1;
	s31 =	sadd.s32 $0x3F9400, s4;
	[dreg:$0x8] =	wrdreg s0  }
0xb: {  	v0 =	vlaneseq.u32;
	s9 =	smul.u32 $0xC80, s3;
	s3 =	simm.s32 $0x0;
	[dreg:$0x7] =	wrdreg s31  }
.LBB2_1:
0xc: {  	[dreg:$0x9] =	wrdreg s3  }
0xd: {  	s0 =	rddreg [dreg:$0x7];
	s1 =	simm.s32 $0x2  }
0xe: {  	[tilespmem:s2], [sflag:$0x2] =	stream.linear.gather [hbm4b:s0+s2], $0x3E80, $0x38;
	[tilespmem:$0x19140] =	vst v63  }
0xf: {  	_ =	swait.ge [sflag:s1], $0x3E80  }
0x10: {  	[sflag:s1] =	ssyncset.done $0x0  }
0x11: {  	s22 =	simm.s32 $0x17E80;
	s21 =	rddreg [dreg:$0x2];
	[sflag:s1] =	ssyncadd.s32 $0xFFFFC180  }
0x12: {  	[tilespmem:s22], [sflag:$0x2] =	stream.linear.gather [hbm4b:s21+s2], $0x300, $0x38;
	[tilespmem:$0x19140] =	vst v63  }
0x13: {  	_ =	swait.ge [sflag:s1], $0x300  }
0x14: {  	[sflag:s1] =	ssyncset.done $0x0  }
0x15: {  	s24 =	simm.s32 $0x18180;
	s23 =	rddreg [dreg:$0x3];
	[sflag:s1] =	ssyncadd.s32 $0xFFFFFD00  }
0x16: {  	[tilespmem:s24], [sflag:$0x2] =	stream.linear.gather [hbm4b:s23+s2], $0x7C0, $0x38;
	[tilespmem:$0x19140] =	vst v63  }
0x17: {  	_ =	swait.ge [sflag:s1], $0x7C0  }
0x18: {  	[sflag:s1] =	ssyncset.done $0x0  }
0x19: {  	s26 =	simm.s32 $0x18940;
	s25 =	rddreg [dreg:$0x4];
	[sflag:s1] =	ssyncadd.s32 $0xFFFFF840  }
0x1a: {  	[tilespmem:s26], [sflag:$0x2] =	stream.linear.gather [hbm4b:s25+s2], $0x600, $0x38;
	[tilespmem:$0x19140] =	vst v63  }
0x1b: {  	_ =	swait.ge [sflag:s1], $0x600  }
0x1c: {  	[sflag:s1] =	ssyncset.done $0x0  }
0x1d: {  	s29 =	simm.s32 $0x18F40;
	s28 =	rddreg [dreg:$0x5];
	[sflag:s1] =	ssyncadd.s32 $0xFFFFFA00  }
0x1e: {  	[tilespmem:s29], [sflag:$0x2] =	stream.linear.gather [hbm4b:s28+s2], $0x1C0, $0x38;
	[tilespmem:$0x19140] =	vst v63  }
0x1f: {  	_ =	swait.ge [sflag:s1], $0x1C0  }
0x20: {  	[sflag:s1] =	ssyncset.done $0x0  }
0x21: {  	s31 =	simm.s32 $0x19100;
	s30 =	rddreg [dreg:$0x6];
	[sflag:s1] =	ssyncadd.s32 $0xFFFFFE40  }
0x22: {  	[tilespmem:s31], [sflag:$0x2] =	stream.linear.gather [hbm4b:s30+s2], $0x40, $0x38;
	[tilespmem:$0x19140] =	vst v63  }
0x23: {  	_ =	swait.ge [sflag:s1], $0x40  }
0x24: {  	[sflag:s1] =	ssyncset.done $0x0  }
0x25: {  	[sflag:s1] =	ssyncadd.s32 $0xFFFFFFC0  }
0x26: {  	v1 =	vld [tilespmem:$0x19100]  }
0x27: {  	v2 =	vld [tilespmem:$0x19110]  }
0x28: {  	v3 =	vld [tilespmem:$0x19120]  }
0x29: {  	s0 =	simm.s32 $0xFFFB0000;
	v4 =	vld [tilespmem:$0x19130]  }
.LBB2_2:
0x2a: {  	p0 =	sne.s32 s0, $0xFFFFFB00  }
.Ltmp0:
0x2b: {  	s1 =	sshra.s32 s0, $0x2;
	(pc) =	sbr.rel @p0 .LBB2_2-.Ltmp0, $4  }
0x2c: {  	[tilespmem:s1+$0x17F80] =	vst v1  }
0x2d: {  	[tilespmem:s1+$0x17F90] =	vst v2  }
0x2e: {  	[tilespmem:s1+$0x17FA0] =	vst v3  }
0x2f: {  	s0 =	sadd.s32 $0x500, s0;
	[tilespmem:s1+$0x17FB0] =	vst v4  }
0x30: {  	s20 =	simm.s32 $0x0;
	p0 =	por $0x0, $0x0;
	s21 =	simm.s32 $0x0  }
.LBB2_4:
0x31: {  	p1 =	slt.u32 s21, $0x2;
	v1 =	vadd.s32 s20, v0;
	s0 =	sadd.s32 $0xF, s20  }
0x32: {  	s16 =	sadd.s32 $0x5, s20;
	s1 =	simm.s32 @!p1 $0x1;
	v2 =	vadd.s32 s0, v0  }
0x33: {  	v3 =	vadd.s32 s16, v0;
	_ =	swait.ge @!p1 [sflag:s1], $0xA000  }
0x34: {  	[sflag:s1] =	ssyncset.done @!p1 $0x0  }
0x35: {  	s17 =	sadd.s32 $0xA, s20;
	[sflag:s1] =	ssyncadd.s32 @!p1 $0xFFFF6000  }
0x36: {  	v4 =	vadd.s32 s17, v0;
	v1 =	vld.idx.msk [tilespmem:v1+s2+$0x0], $0xffff  }
0x37: {  	v2 =	vld.idx.msk [tilespmem:v2+s2+$0x0], $0xffff  }
0x38: {  	v3 =	vld.idx.msk [tilespmem:v3+s2+$0x0], $0xffff;
	_ =	sdelay $0x2  }
0x39: {  	v4 =	vld.idx.msk [tilespmem:v4+s2+$0x0], $0xffff;
	v1 =	vshll.u32 v1, $0x8  }
0x3a: {  	v1 =	vshra.s32 v1, $0x2;
	v2 =	vshll.u32 v2, $0x8  }
0x3b: {  	v3 =	vshll.u32 v3, $0x8;
	v2 =	vshra.s32 v2, $0x2;
	(v2sf) =	vpush v1, $0x1  }
0x3c: {  	v3 =	vshra.s32 v3, $0x2;
	(v2sf) =	vpush v2, $0x1  }
0x3d: {  	(v2sf) =	vpush v3, $0x1  }
0x3e: {  	v4 =	vshll.u32 v4, $0x8  }
0x3f: {  	v4 =	vshra.s32 v4, $0x2  }
0x40: {  	(v2sf) =	vpush v4, $0x1;
	_ =	sdelay $0x9  }
0x41: {  	s6 =	spop (v2sf)  }
0x42: {  	s0 =	simm.s32 $0x1;
	(v2sf) =	vpush v3, $0x2;
	s7 =	spop (v2sf)  }
0x43: {  	s0 =	simm.s32 @!p0 $0x0;
	(v2sf) =	vpush v4, $0x2;
	v5 =	vld [tilespmem:s7+$0x17E80];
	s10 =	spop (v2sf)  }
0x44: {  	s0 =	smul.u32 $0x28000, s0;
	(v2sf) =	vpush v1, $0x2;
	v6 =	vld [tilespmem:s10+$0x17E80]  }
0x45: {  	(v2sf) =	vpush v3, $0x3  }
0x46: {  	s0 =	sshrl.u32 s0, $0x2;
	s11 =	spop (v2sf);
	(v2sf) =	vpush v4, $0x3  }
0x47: {  	s22 =	sadd.s32 $0x4100, s0;
	v7 =	vld [tilespmem:s11+$0x17E80];
	(v2sf) =	vpush v1, $0x3  }
0x48: {  	(v2sf) =	vpush v3, $0x4;
	v3 =	vld [tilespmem:s6+$0x17E80];
	[tilespmem:s22+$0x140] =	vst v5  }
0x49: {  	(v2sf) =	vpush v4, $0x4;
	v4 =	vld [tilespmem:s7+$0x17E90];
	[tilespmem:s22+$0xFFFFFEC0] =	vst v6  }
0x4a: {  	(v2sf) =	vpush v1, $0x4;
	v1 =	vld [tilespmem:s10+$0x17E90]  }
0x4b: {  	(v2sf) =	vpush v2, $0x2  }
0x4c: {  	[tilespmem:s22+$0x0] =	vst v7  }
0x4d: {  	[tilespmem:s22+$0xFFFFFD80] =	vst v3;
	v3 =	vld [tilespmem:s11+$0x17E90]  }
0x4e: {  	v5 =	vld [tilespmem:s6+$0x17E90];
	[tilespmem:s22+$0x150] =	vst v4  }
0x4f: {  	v4 =	vld [tilespmem:s7+$0x17EA0];
	[tilespmem:s22+$0xFFFFFED0] =	vst v1  }
0x50: {  	v1 =	vld [tilespmem:s10+$0x17EA0]  }
0x51: {  	s5 =	spop (v2sf)  }
0x52: {  	s4 =	spop (v2sf);
	[tilespmem:s22+$0x10] =	vst v3  }
0x53: {  	s3 =	spop (v2sf);
	[tilespmem:s22+$0xFFFFFD90] =	vst v5;
	v3 =	vld [tilespmem:s11+$0x17EA0]  }
0x54: {  	s1 =	spop (v2sf);
	v5 =	vld [tilespmem:s6+$0x17EA0];
	[tilespmem:s22+$0x160] =	vst v4  }
0x55: {  	s0 =	spop (v2sf);
	v4 =	vld [tilespmem:s7+$0x17EB0];
	[tilespmem:s22+$0xFFFFFEE0] =	vst v1  }
0x56: {  	s15 =	spop (v2sf);
	v1 =	vld [tilespmem:s10+$0x17EB0]  }
0x57: {  	s25 =	spop (v2sf)  }
0x58: {  	s23 =	spop (v2sf);
	[tilespmem:s22+$0x20] =	vst v3  }
0x59: {  	s24 =	spop (v2sf);
	[tilespmem:s22+$0xFFFFFDA0] =	vst v5;
	v3 =	vld [tilespmem:s11+$0x17EB0]  }
0x5a: {  	v5 =	vld [tilespmem:s6+$0x17EB0];
	s18 =	spop (v2sf);
	[tilespmem:s22+$0x170] =	vst v4  }
0x5b: {  	v4 =	vld [tilespmem:s18+$0x18180];
	[tilespmem:s22+$0xFFFFFEF0] =	vst v1  }
0x5c: {  	v1 =	vld [tilespmem:s5+$0x18180];
	_ =	sdelay $0x1  }
0x5d: {  	[tilespmem:s22+$0x30] =	vst v3  }
0x5e: {  	[tilespmem:s22+$0xFFFFFDB0] =	vst v5;
	v3 =	vld [tilespmem:s4+$0x18180]  }
0x5f: {  	v5 =	vld [tilespmem:s3+$0x18180];
	[tilespmem:s22+$0x180] =	vst v4  }
0x60: {  	v4 =	vld [tilespmem:s18+$0x18190];
	[tilespmem:s22+$0xFFFFFF00] =	vst v1  }
0x61: {  	s17 =	sadd.s32 $0x14, s20;
	v1 =	vld [tilespmem:s5+$0x18190]  }
0x62: {  	s26 =	sadd.s32 $0x5, s17;
	(v2sf) =	vpush v2, $0x3  }
0x63: {  	v7 =	vadd.s32 s26, v0;
	[tilespmem:s22+$0x40] =	vst v3  }
0x64: {  	[tilespmem:s22+$0xFFFFFDC0] =	vst v5;
	v3 =	vld [tilespmem:s4+$0x18190]  }
0x65: {  	v5 =	vld [tilespmem:s3+$0x18190];
	[tilespmem:s22+$0x190] =	vst v4  }
0x66: {  	v4 =	vld [tilespmem:s18+$0x181A0];
	[tilespmem:s22+$0xFFFFFF10] =	vst v1;
	v1 =	vadd.s32 s17, v0;
	_ =	sdelay $0x1  }
0x67: {  	s19 =	sadd.s32 $0xF, s17;
	v7 =	vld.idx.msk [tilespmem:v7+s2+$0x0], $0xffff  }
0x68: {  	s10 =	sadd.s32 $0xA, s17;
	v6 =	vld [tilespmem:s5+$0x181A0];
	[tilespmem:s22+$0x50] =	vst v3;
	v3 =	vadd.s32 s19, v0  }
0x69: {  	v9 =	vadd.s32 s10, v0;
	[tilespmem:s22+$0xFFFFFDD0] =	vst v5;
	v5 =	vld [tilespmem:s4+$0x181A0]  }
0x6a: {  	[tilespmem:s22+$0x1A0] =	vst v4;
	v1 =	vld.idx.msk [tilespmem:v1+s2+$0x0], $0xffff  }
0x6b: {  	v4 =	vld [tilespmem:s18+$0x181B0]  }
0x6c: {  	v8 =	vld [tilespmem:s3+$0x181A0]  }
0x6d: {  	v3 =	vld.idx.msk [tilespmem:v3+s2+$0x0], $0xffff  }
0x6e: {  	[tilespmem:s22+$0xFFFFFF20] =	vst v6;
	v6 =	vld.idx.msk [tilespmem:v9+s2+$0x0], $0xffff  }
0x6f: {  	v60 =	vld [tilespmem:s5+$0x181B0]  }
0x70: {  	s11 =	spop (v2sf);
	v1 =	vshll.u32 v1, $0x8;
	[tilespmem:s22+$0x1B0] =	vst v4  }
0x71: {  	[tilespmem:s22+$0x60] =	vst v5;
	v5 =	vshra.s32 v1, $0x2;
	v4 =	vld [tilespmem:s11+$0x18940]  }
0x72: {  	[tilespmem:s22+$0xFFFFFDE0] =	vst v8;
	v1 =	vshll.u32 v3, $0x8;
	(v2sf) =	vpush v5, $0x1  }
0x73: {  	v7 =	vshll.u32 v7, $0x8;
	v8 =	vld [tilespmem:s3+$0x181B0];
	v1 =	vshra.s32 v1, $0x2  }
0x74: {  	v7 =	vshra.s32 v7, $0x2;
	v6 =	vshll.u32 v6, $0x8;
	v3 =	vld [tilespmem:s4+$0x181B0];
	[tilespmem:s22+$0xFFFFFF30] =	vst v60;
	(v2sf) =	vpush v1, $0x1  }
0x75: {  	v6 =	vshra.s32 v6, $0x2;
	v9 =	vld [tilespmem:s1+$0x18940];
	(v2sf) =	vpush v7, $0x1  }
0x76: {  	(v2sf) =	vpush v6, $0x1;
	[tilespmem:s22+$0x1C0] =	vst v4  }
0x77: {  	v4 =	vld [tilespmem:s11+$0x18950]  }
0x78: {  	[tilespmem:s22+$0xFFFFFDF0] =	vst v8;
	(v2sf) =	vpush v7, $0x2  }
0x79: {  	[tilespmem:s22+$0x70] =	vst v3;
	v3 =	vld [tilespmem:s15+$0x18940];
	(v2sf) =	vpush v2, $0x4  }
0x7a: {  	v2 =	vld [tilespmem:s0+$0x18940];
	[tilespmem:s22+$0xFFFFFF40] =	vst v9  }
0x7b: {  	v8 =	vld [tilespmem:s1+$0x18950]  }
0x7c: {  	[tilespmem:s22+$0x1D0] =	vst v4  }
0x7d: {  	v4 =	vld [tilespmem:s11+$0x18960]  }
0x7e: {  	[tilespmem:s22+$0xFFFFFE00] =	vst v3  }
0x7f: {  	[tilespmem:s22+$0x80] =	vst v2;
	v3 =	vld [tilespmem:s15+$0x18950]  }
0x80: {  	v2 =	vld [tilespmem:s0+$0x18950];
	[tilespmem:s22+$0xFFFFFF50] =	vst v8  }
0x81: {  	v8 =	vld [tilespmem:s1+$0x18960];
	s12 =	spop (v2sf)  }
0x82: {  	(v2sf) =	vpush v6, $0x2;
	v61 =	vld [tilespmem:s12+$0x17E80];
	[tilespmem:s22+$0x1E0] =	vst v4  }
0x83: {  	(v2sf) =	vpush v5, $0x2;
	s13 =	spop (v2sf);
	v4 =	vld [tilespmem:s11+$0x18970]  }
0x84: {  	(v2sf) =	vpush v7, $0x3;
	[tilespmem:s22+$0xFFFFFE10] =	vst v3;
	v10 =	vld [tilespmem:s13+$0x17E80];
	s14 =	spop (v2sf)  }
0x85: {  	(v2sf) =	vpush v6, $0x3;
	[tilespmem:s22+$0x90] =	vst v2;
	v2 =	vld [tilespmem:s14+$0x17E80];
	s18 =	spop (v2sf)  }
0x86: {  	s26 =	sadd.s32 $0x500, s22;
	(v2sf) =	vpush v5, $0x3;
	[tilespmem:s22+$0xFFFFFF60] =	vst v8;
	v3 =	vld [tilespmem:s18+$0x17E80]  }
0x87: {  	(v2sf) =	vpush v7, $0x4;
	v7 =	vld [tilespmem:s15+$0x18960];
	s16 =	spop (v2sf);
	[tilespmem:s26+$0xFFFFFD80] =	vst v61  }
0x88: {  	(v2sf) =	vpush v6, $0x4;
	s19 =	spop (v2sf);
	v6 =	vld [tilespmem:s12+$0x17E90];
	[tilespmem:s22+$0x1F0] =	vst v4  }
0x89: {  	[tilespmem:s26+$0x140] =	vst v10;
	v8 =	vld [tilespmem:s19+$0x18F40]  }
0x8a: {  	[tilespmem:s26+$0xFFFFFEC0] =	vst v2;
	v2 =	vld [tilespmem:s13+$0x17E90]  }
0x8b: {  	(v2sf) =	vpush v5, $0x4;
	v5 =	vld [tilespmem:s14+$0x17E90];
	[tilespmem:s26+$0x0] =	vst v3  }
0x8c: {  	(v2sf) =	vpush v1, $0x2;
	v3 =	vld [tilespmem:s18+$0x17E90]  }
0x8d: {  	v4 =	vld [tilespmem:s0+$0x18960];
	[tilespmem:s26+$0xFFFFFD90] =	vst v6  }
0x8e: {  	v6 =	vld [tilespmem:s12+$0x17EA0];
	[tilespmem:s22+$0x200] =	vst v8  }
0x8f: {  	[tilespmem:s26+$0x150] =	vst v2;
	v2 =	vld [tilespmem:s1+$0x18970]  }
0x90: {  	[tilespmem:s26+$0xFFFFFED0] =	vst v5;
	v5 =	vld [tilespmem:s13+$0x17EA0]  }
0x91: {  	v8 =	vld [tilespmem:s14+$0x17EA0];
	[tilespmem:s26+$0x10] =	vst v3  }
0x92: {  	[tilespmem:s22+$0xA0] =	vst v4;
	v3 =	vld [tilespmem:s18+$0x17EA0]  }
0x93: {  	s3 =	spop (v2sf);
	v4 =	vld [tilespmem:s19+$0x18F50];
	[tilespmem:s26+$0xFFFFFDA0] =	vst v6  }
0x94: {  	s4 =	spop (v2sf);
	[tilespmem:s22+$0xFFFFFE20] =	vst v7;
	v6 =	vld [tilespmem:s12+$0x17EB0]  }
0x95: {  	s30 =	spop (v2sf);
	[tilespmem:s26+$0x160] =	vst v5;
	v5 =	vld [tilespmem:s0+$0x18970]  }
0x96: {  	s31 =	spop (v2sf);
	[tilespmem:s26+$0xFFFFFEE0] =	vst v8;
	v7 =	vld [tilespmem:s13+$0x17EB0]  }
0x97: {  	s1 =	spop (v2sf);
	v8 =	vld [tilespmem:s14+$0x17EB0];
	[tilespmem:s26+$0x20] =	vst v3  }
0x98: {  	[tilespmem:s22+$0xFFFFFF70] =	vst v2;
	s14 =	spop (v2sf);
	v3 =	vld [tilespmem:s18+$0x17EB0]  }
0x99: {  	[tilespmem:s22+$0x210] =	vst v4;
	v62 =	vld [tilespmem:s25+$0x18F40];
	s0 =	spop (v2sf)  }
0x9a: {  	v4 =	vld [tilespmem:s19+$0x18F60];
	s13 =	spop (v2sf);
	[tilespmem:s26+$0xFFFFFDB0] =	vst v6  }
0x9b: {  	s5 =	spop (v2sf);
	v6 =	vld [tilespmem:s4+$0x18180];
	[tilespmem:s26+$0x170] =	vst v7  }
0x9c: {  	[tilespmem:s26+$0xFFFFFEF0] =	vst v8;
	v7 =	vld [tilespmem:s5+$0x18180]  }
0x9d: {  	v8 =	vld [tilespmem:s16+$0x18180];
	[tilespmem:s26+$0x30] =	vst v3  }
0x9e: {  	[tilespmem:s22+$0xB0] =	vst v5;
	v3 =	vld [tilespmem:s3+$0x18180]  }
0x9f: {  	[tilespmem:s22+$0x220] =	vst v4;
	v4 =	vld [tilespmem:s15+$0x18970]  }
0xa0: {  	v2 =	vld [tilespmem:s19+$0x18F70];
	[tilespmem:s26+$0xFFFFFDC0] =	vst v6  }
0xa1: {  	v5 =	vld [tilespmem:s4+$0x18190];
	[tilespmem:s26+$0x180] =	vst v7  }
0xa2: {  	[tilespmem:s26+$0xFFFFFF00] =	vst v8;
	v7 =	vld [tilespmem:s5+$0x18190]  }
0xa3: {  	v8 =	vld [tilespmem:s16+$0x18190];
	[tilespmem:s26+$0x40] =	vst v3  }
0xa4: {  	(v2sf) =	vpush v1, $0x3;
	[tilespmem:s22+$0xFFFFFE30] =	vst v4;
	v63 =	vld [tilespmem:s3+$0x18190]  }
0xa5: {  	[tilespmem:s22+$0x230] =	vst v2;
	v2 =	vld [tilespmem:s23+$0x18F40]  }
0xa6: {  	[tilespmem:s22+$0xFFFFFF80] =	vst v62;
	v4 =	vld [tilespmem:s24+$0x18F40]  }
0xa7: {  	v3 =	vld [tilespmem:s25+$0x18F50];
	[tilespmem:s26+$0x190] =	vst v7  }
0xa8: {  	s28 =	sand.u32 $0x1, s21;
	[tilespmem:s26+$0xFFFFFF10] =	vst v8;
	v6 =	vld [tilespmem:s5+$0x181A0]  }
0xa9: {  	s29 =	sshll.u32 s21, $0x7;
	s17 =	sadd.s32 $0x14, s17;
	s15 =	simm.s32 $0x4;
	v7 =	vld [tilespmem:s16+$0x181A0];
	[tilespmem:s26+$0x50] =	vst v63  }
.LBB2_5:
0xaa: {  	v8 =	vadd.s32 s17, v0;
	s6 =	sadd.s32 $0x5, s17;
	s7 =	sadd.s32 $0xF, s17;
	s15 =	sadd.s32 $0x4, s15;
	[tilespmem:s26+$0xFFFFFDD0] =	vst v5;
	v5 =	vld [tilespmem:s3+$0x181A0]  }
0xab: {  	v9 =	vadd.s32 s6, v0;
	s6 =	sadd.s32 $0xA, s17;
	v10 =	vadd.s32 s7, v0;
	p1 =	slt.u32 s15, $0x7C;
	v11 =	vld [tilespmem:s4+$0x181A0];
	[tilespmem:s22+$0xC0] =	vst v2  }
0xac: {  	v2 =	vadd.s32 s6, v0;
	[tilespmem:s22+$0xFFFFFE40] =	vst v4;
	v4 =	vld [tilespmem:s23+$0x18F50]  }
0xad: {  	[tilespmem:s26+$0x1A0] =	vst v6;
	v6 =	vld [tilespmem:s24+$0x18F50]  }
0xae: {  	[tilespmem:s26+$0xFFFFFF20] =	vst v7;
	v7 =	vld [tilespmem:s5+$0x181B0]  }
0xaf: {  	v8 =	vld.idx.msk [tilespmem:v8+s2+$0x0], $0xffff;
	[tilespmem:s26+$0x60] =	vst v5  }
0xb0: {  	v5 =	vld.idx.msk [tilespmem:v10+s2+$0x0], $0xffff;
	[tilespmem:s26+$0xFFFFFDE0] =	vst v11  }
0xb1: {  	v9 =	vld.idx.msk [tilespmem:v9+s2+$0x0], $0xffff;
	[tilespmem:s22+$0xFFFFFF90] =	vst v3  }
0xb2: {  	v2 =	vld.idx.msk [tilespmem:v2+s2+$0x0], $0xffff;
	[tilespmem:s22+$0xD0] =	vst v4  }
0xb3: {  	v3 =	vld [tilespmem:s16+$0x181B0];
	[tilespmem:s26+$0x1B0] =	vst v7;
	s16 =	spop (v2sf)  }
0xb4: {  	v4 =	vld [tilespmem:s16+$0x18940];
	[tilespmem:s22+$0xFFFFFE50] =	vst v6  }
0xb5: {  	v6 =	vshll.u32 v8, $0x8;
	v7 =	vld [tilespmem:s3+$0x181B0]  }
0xb6: {  	v6 =	vshra.s32 v6, $0x2;
	v5 =	vshll.u32 v5, $0x8;
	v8 =	vld [tilespmem:s4+$0x181B0]  }
0xb7: {  	v9 =	vshll.u32 v9, $0x8;
	v5 =	vshra.s32 v5, $0x2;
	(v2sf) =	vpush v6, $0x1;
	v10 =	vld [tilespmem:s25+$0x18F60]  }
0xb8: {  	v9 =	vshra.s32 v9, $0x2;
	v2 =	vshll.u32 v2, $0x8;
	(v2sf) =	vpush v5, $0x1;
	[tilespmem:s26+$0xFFFFFF30] =	vst v3;
	v3 =	vld [tilespmem:s23+$0x18F60]  }
0xb9: {  	v2 =	vshra.s32 v2, $0x2;
	(v2sf) =	vpush v9, $0x1;
	v11 =	vld [tilespmem:s30+$0x18940];
	[tilespmem:s26+$0x1C0] =	vst v4  }
0xba: {  	(v2sf) =	vpush v2, $0x1;
	[tilespmem:s26+$0x70] =	vst v7;
	v4 =	vld [tilespmem:s16+$0x18950]  }
0xbb: {  	(v2sf) =	vpush v9, $0x2;
	[tilespmem:s26+$0xFFFFFDF0] =	vst v8;
	v7 =	vld [tilespmem:s31+$0x18940]  }
0xbc: {  	v8 =	vld [tilespmem:s1+$0x18940];
	(v2sf) =	vpush v1, $0x4;
	[tilespmem:s22+$0xFFFFFFA0] =	vst v10;
	v1 =	vmov v5  }
0xbd: {  	(v2sf) =	vpush v2, $0x2;
	v5 =	vld [tilespmem:s24+$0x18F60];
	[tilespmem:s22+$0xE0] =	vst v3  }
0xbe: {  	(v2sf) =	vpush v6, $0x2;
	[tilespmem:s26+$0xFFFFFF40] =	vst v11;
	v3 =	vld [tilespmem:s25+$0x18F70];
	s25 =	smov.u32 s14  }
0xbf: {  	(v2sf) =	vpush v9, $0x3;
	v10 =	vld [tilespmem:s30+$0x18950];
	[tilespmem:s26+$0x1D0] =	vst v4  }
0xc0: {  	(v2sf) =	vpush v2, $0x3;
	[tilespmem:s26+$0x80] =	vst v7;
	v4 =	vld [tilespmem:s16+$0x18960]  }
0xc1: {  	(v2sf) =	vpush v6, $0x3;
	[tilespmem:s26+$0xFFFFFE00] =	vst v8;
	v7 =	vld [tilespmem:s31+$0x18950]  }
0xc2: {  	(v2sf) =	vpush v9, $0x4;
	v8 =	vld [tilespmem:s1+$0x18950];
	[tilespmem:s22+$0xFFFFFE60] =	vst v5  }
0xc3: {  	(v2sf) =	vpush v2, $0x4;
	[tilespmem:s22+$0xFFFFFFB0] =	vst v3;
	v2 =	vld [tilespmem:s23+$0x18F70];
	s23 =	smov.u32 s0  }
0xc4: {  	(v2sf) =	vpush v6, $0x4;
	[tilespmem:s26+$0xFFFFFF50] =	vst v10;
	v3 =	vld [tilespmem:s24+$0x18F70];
	s24 =	smov.u32 s13  }
0xc5: {  	v5 =	vld [tilespmem:s30+$0x18960];
	[tilespmem:s26+$0x1E0] =	vst v4  }
0xc6: {  	s5 =	spop (v2sf);
	[tilespmem:s26+$0x90] =	vst v7;
	v4 =	vld [tilespmem:s16+$0x18970]  }
0xc7: {  	v6 =	vld [tilespmem:s5+$0x17E80];
	s6 =	spop (v2sf);
	[tilespmem:s26+$0xFFFFFE10] =	vst v8  }
0xc8: {  	v7 =	vld [tilespmem:s6+$0x17E80];
	s7 =	spop (v2sf);
	[tilespmem:s22+$0xF0] =	vst v2  }
0xc9: {  	v2 =	vld [tilespmem:s7+$0x17E80];
	s10 =	spop (v2sf);
	[tilespmem:s22+$0xFFFFFE70] =	vst v3;
	s22 =	smov.u32 s26  }
0xca: {  	v3 =	vld [tilespmem:s10+$0x17E80];
	s16 =	spop (v2sf);
	[tilespmem:s26+$0xFFFFFF60] =	vst v5  }
0xcb: {  	v5 =	vld [tilespmem:s31+$0x18960];
	[tilespmem:s26+$0x1F0] =	vst v4;
	s11 =	spop (v2sf)  }
0xcc: {  	s26 =	sadd.s32 $0x500, s26;
	s3 =	spop (v2sf);
	v4 =	vld [tilespmem:s11+$0x18F40]  }
0xcd: {  	[tilespmem:s26+$0x140] =	vst v7;
	s4 =	spop (v2sf);
	v7 =	vld [tilespmem:s1+$0x18960]  }
0xce: {  	[tilespmem:s26+$0xFFFFFEC0] =	vst v2;
	v2 =	vld [tilespmem:s6+$0x17E90];
	s18 =	spop (v2sf)  }
0xcf: {  	v8 =	vld [tilespmem:s7+$0x17E90];
	[tilespmem:s26+$0x0] =	vst v3;
	s19 =	spop (v2sf)  }
0xd0: {  	[tilespmem:s26+$0xFFFFFD80] =	vst v6;
	v3 =	vld [tilespmem:s10+$0x17E90];
	s12 =	spop (v2sf);
	(v2sf) =	vpush v1, $0x2  }
0xd1: {  	v6 =	vld [tilespmem:s5+$0x17E90];
	s14 =	spop (v2sf);
	[tilespmem:s22+$0x200] =	vst v4  }
0xd2: {  	s0 =	spop (v2sf);
	[tilespmem:s22+$0xA0] =	vst v5;
	v4 =	vld [tilespmem:s11+$0x18F50]  }
0xd3: {  	[tilespmem:s26+$0x150] =	vst v2;
	s13 =	spop (v2sf);
	v2 =	vld [tilespmem:s30+$0x18970];
	s30 =	smov.u32 s18  }
0xd4: {  	[tilespmem:s26+$0xFFFFFED0] =	vst v8;
	v5 =	vld [tilespmem:s6+$0x17EA0]  }
0xd5: {  	v8 =	vld [tilespmem:s7+$0x17EA0];
	[tilespmem:s26+$0x10] =	vst v3  }
0xd6: {  	[tilespmem:s26+$0xFFFFFD90] =	vst v6;
	v3 =	vld [tilespmem:s10+$0x17EA0]  }
0xd7: {  	v6 =	vld [tilespmem:s5+$0x17EA0];
	[tilespmem:s22+$0x210] =	vst v4  }
0xd8: {  	[tilespmem:s22+$0xFFFFFE20] =	vst v7;
	v4 =	vld [tilespmem:s11+$0x18F60]  }
0xd9: {  	[tilespmem:s26+$0x160] =	vst v5;
	v5 =	vld [tilespmem:s31+$0x18970];
	s31 =	smov.u32 s19  }
0xda: {  	[tilespmem:s26+$0xFFFFFEE0] =	vst v8;
	v7 =	vld [tilespmem:s6+$0x17EB0]  }
0xdb: {  	v8 =	vld [tilespmem:s7+$0x17EB0];
	[tilespmem:s26+$0x20] =	vst v3  }
0xdc: {  	[tilespmem:s26+$0xFFFFFDA0] =	vst v6;
	v3 =	vld [tilespmem:s10+$0x17EB0]  }
0xdd: {  	v6 =	vld [tilespmem:s5+$0x17EB0];
	[tilespmem:s22+$0x220] =	vst v4  }
0xde: {  	[tilespmem:s22+$0xFFFFFF70] =	vst v2;
	v2 =	vld [tilespmem:s11+$0x18F70]  }
0xdf: {  	[tilespmem:s26+$0x170] =	vst v7;
	s5 =	spop (v2sf);
	v4 =	vld [tilespmem:s1+$0x18970];
	s1 =	smov.u32 s12  }
0xe0: {  	[tilespmem:s26+$0xFFFFFEF0] =	vst v8;
	v7 =	vld [tilespmem:s5+$0x18180]  }
0xe1: {  	v8 =	vld [tilespmem:s16+$0x18180];
	[tilespmem:s26+$0x30] =	vst v3  }
0xe2: {  	[tilespmem:s26+$0xFFFFFDB0] =	vst v6;
	v3 =	vld [tilespmem:s3+$0x18180]  }
0xe3: {  	v6 =	vld [tilespmem:s4+$0x18180];
	[tilespmem:s22+$0x230] =	vst v2  }
0xe4: {  	v9 =	vld [tilespmem:s25+$0x18F40];
	[tilespmem:s22+$0xB0] =	vst v5  }
0xe5: {  	[tilespmem:s26+$0x180] =	vst v7;
	v2 =	vld [tilespmem:s23+$0x18F40]  }
0xe6: {  	[tilespmem:s26+$0xFFFFFF00] =	vst v8;
	v7 =	vld [tilespmem:s5+$0x18190]  }
0xe7: {  	v8 =	vld [tilespmem:s16+$0x18190];
	[tilespmem:s26+$0x40] =	vst v3  }
0xe8: {  	[tilespmem:s26+$0xFFFFFDC0] =	vst v6;
	v10 =	vld [tilespmem:s3+$0x18190];
	(v2sf) =	vpush v1, $0x3  }
.Ltmp1:
0xe9: {  	v5 =	vld [tilespmem:s4+$0x18190];
	[tilespmem:s22+$0xFFFFFE30] =	vst v4;
	(pc) =	sbr.rel @p1 .LBB2_5-.Ltmp1, $4  }
0xea: {  	v4 =	vld [tilespmem:s24+$0x18F40];
	[tilespmem:s22+$0xFFFFFF80] =	vst v9  }
0xeb: {  	[tilespmem:s26+$0x190] =	vst v7;
	v3 =	vld [tilespmem:s25+$0x18F50]  }
0xec: {  	[tilespmem:s26+$0xFFFFFF10] =	vst v8;
	v6 =	vld [tilespmem:s5+$0x181A0]  }
0xed: {  	s17 =	sadd.s32 $0x14, s17;
	v7 =	vld [tilespmem:s16+$0x181A0];
	[tilespmem:s26+$0x50] =	vst v10  }
0xee: {  	[tilespmem:s26+$0xFFFFFDD0] =	vst v5;
	v51 =	vld [tilespmem:s3+$0x181A0]  }
0xef: {  	v8 =	vld [tilespmem:s4+$0x181A0];
	_ =	sdelay $0x1  }
0xf0: {  	[tilespmem:s26+$0x1A0] =	vst v6  }
0xf1: {  	[tilespmem:s26+$0xFFFFFF20] =	vst v7;
	v6 =	vld [tilespmem:s5+$0x181B0]  }
0xf2: {  	[tilespmem:s26+$0x60] =	vst v51;
	v52 =	vld [tilespmem:s16+$0x181B0]  }
0xf3: {  	[tilespmem:s26+$0xFFFFFDE0] =	vst v8;
	v53 =	vld [tilespmem:s3+$0x181B0]  }
0xf4: {  	v8 =	vld [tilespmem:s4+$0x181B0];
	_ =	sdelay $0x1  }
0xf5: {  	[tilespmem:s26+$0x1B0] =	vst v6;
	s18 =	spop (v2sf)  }
0xf6: {  	v6 =	vld [tilespmem:s18+$0x18940];
	[tilespmem:s26+$0xFFFFFF30] =	vst v52  }
0xf7: {  	v5 =	vld [tilespmem:s30+$0x18940];
	[tilespmem:s26+$0x70] =	vst v53  }
0xf8: {  	[tilespmem:s26+$0xFFFFFDF0] =	vst v8;
	v7 =	vld [tilespmem:s31+$0x18940]  }
0xf9: {  	v8 =	vld [tilespmem:s1+$0x18940];
	_ =	sdelay $0x1  }
0xfa: {  	[tilespmem:s26+$0x1C0] =	vst v6  }
0xfb: {  	v6 =	vld [tilespmem:s18+$0x18950];
	[tilespmem:s26+$0xFFFFFF40] =	vst v5  }
0xfc: {  	v5 =	vld [tilespmem:s30+$0x18950];
	[tilespmem:s26+$0x80] =	vst v7  }
0xfd: {  	(v2sf) =	vpush v1, $0x4;
	[tilespmem:s26+$0xFFFFFE00] =	vst v8;
	v1 =	vld [tilespmem:s31+$0x18950]  }
0xfe: {  	v54 =	vld [tilespmem:s1+$0x18950];
	_ =	sdelay $0x1  }
0xff: {  	[tilespmem:s26+$0x1D0] =	vst v6  }
0x100: {  	v6 =	vld [tilespmem:s18+$0x18960];
	[tilespmem:s26+$0xFFFFFF50] =	vst v5  }
0x101: {  	v5 =	vld [tilespmem:s30+$0x18960];
	[tilespmem:s26+$0x90] =	vst v1  }
0x102: {  	[tilespmem:s26+$0xFFFFFE10] =	vst v54;
	v1 =	vld [tilespmem:s31+$0x18960]  }
0x103: {  	v7 =	vld [tilespmem:s1+$0x18960]  }
0x104: {  	[tilespmem:s22+$0xC0] =	vst v2  }
0x105: {  	[tilespmem:s26+$0x1E0] =	vst v6  }
0x106: {  	v2 =	vld [tilespmem:s18+$0x18970];
	[tilespmem:s26+$0xFFFFFF60] =	vst v5  }
0x107: {  	[tilespmem:s26+$0xA0] =	vst v1;
	v1 =	vld [tilespmem:s30+$0x18970]  }
0x108: {  	[tilespmem:s26+$0xFFFFFE20] =	vst v7;
	v55 =	vld [tilespmem:s31+$0x18970]  }
0x109: {  	[tilespmem:s22+$0xFFFFFE40] =	vst v4;
	v56 =	vld [tilespmem:s1+$0x18970]  }
0x10a: {  	v57 =	vld [tilespmem:s23+$0x18F50];
	[tilespmem:s22+$0xFFFFFF90] =	vst v3  }
0x10b: {  	v3 =	vld [tilespmem:s24+$0x18F50];
	s19 =	spop (v2sf);
	[tilespmem:s26+$0x1F0] =	vst v2  }
0x10c: {  	v2 =	vld [tilespmem:s19+$0x18F40];
	[tilespmem:s26+$0xFFFFFF70] =	vst v1  }
0x10d: {  	v1 =	vld [tilespmem:s14+$0x18F40];
	[tilespmem:s26+$0xB0] =	vst v55  }
0x10e: {  	v5 =	vld [tilespmem:s0+$0x18F40];
	[tilespmem:s26+$0xFFFFFE30] =	vst v56  }
0x10f: {  	[tilespmem:s22+$0xD0] =	vst v57;
	v4 =	vld [tilespmem:s13+$0x18F40]  }
0x110: {  	[tilespmem:s22+$0xFFFFFE50] =	vst v3;
	v3 =	vld [tilespmem:s25+$0x18F60]  }
0x111: {  	v59 =	vld [tilespmem:s24+$0x18F60];
	[tilespmem:s26+$0x200] =	vst v2  }
0x112: {  	v2 =	vld [tilespmem:s19+$0x18F50];
	[tilespmem:s26+$0xFFFFFF80] =	vst v1  }
0x113: {  	v1 =	vld [tilespmem:s14+$0x18F50];
	[tilespmem:s26+$0xC0] =	vst v5  }
0x114: {  	[tilespmem:s26+$0xFFFFFE40] =	vst v4;
	v58 =	vld [tilespmem:s0+$0x18F50]  }
0x115: {  	[tilespmem:s22+$0xFFFFFFA0] =	vst v3;
	v3 =	vld [tilespmem:s13+$0x18F50]  }
0x116: {  	v60 =	vld [tilespmem:s25+$0x18F70];
	[tilespmem:s22+$0xFFFFFE60] =	vst v59  }
0x117: {  	v6 =	vld [tilespmem:s23+$0x18F60];
	[tilespmem:s26+$0x210] =	vst v2  }
0x118: {  	v2 =	vld [tilespmem:s19+$0x18F60];
	[tilespmem:s26+$0xFFFFFF90] =	vst v1  }
0x119: {  	[tilespmem:s26+$0xD0] =	vst v58;
	v1 =	vld [tilespmem:s14+$0x18F60]  }
0x11a: {  	[tilespmem:s26+$0xFFFFFE50] =	vst v3;
	v3 =	vld [tilespmem:s0+$0x18F60]  }
0x11b: {  	[tilespmem:s22+$0xFFFFFFB0] =	vst v60;
	v61 =	vld [tilespmem:s13+$0x18F60]  }
0x11c: {  	v63 =	vld [tilespmem:s24+$0x18F70];
	[tilespmem:s22+$0xE0] =	vst v6  }
0x11d: {  	v62 =	vld [tilespmem:s23+$0x18F70];
	[tilespmem:s26+$0x220] =	vst v2  }
0x11e: {  	v2 =	vld [tilespmem:s19+$0x18F70];
	[tilespmem:s26+$0xFFFFFFA0] =	vst v1  }
0x11f: {  	[tilespmem:s26+$0xE0] =	vst v3;
	v1 =	vld [tilespmem:s14+$0x18F70]  }
0x120: {  	[tilespmem:s26+$0xFFFFFE60] =	vst v61;
	v3 =	vld [tilespmem:s0+$0x18F70]  }
0x121: {  	s21 =	sadd.s32 $0x1, s21;
	[tilespmem:s22+$0xFFFFFE70] =	vst v63;
	v4 =	vld [tilespmem:s13+$0x18F70]  }
0x122: {  	p1 =	sne.s32 s21, $0x19;
	s31 =	smul.u32 $0x28000, s28;
	[tilespmem:s22+$0xF0] =	vst v62  }
.Ltmp2:
0x123: {  	s30 =	sadd.s32 s9, s29;
	[tilespmem:s26+$0x230] =	vst v2;
	(pc) =	sbr.rel @p1 .LBB2_4-.Ltmp2, $4  }
0x124: {  	s0 =	smul.u32 $0x28, s30;
	[tilespmem:s26+$0xFFFFFFB0] =	vst v1  }
0x125: {  	s20 =	sadd.s32 $0x280, s20;
	s1 =	sshrl.u32 s31, $0x2;
	[tilespmem:s26+$0xF0] =	vst v3  }
0x126: {  	p0 =	por !p0, !p0;
	s1 =	sadd.s32 $0x3E80, s1;
	s0 =	sadd.s32 s8, s0;
	[tilespmem:s26+$0xFFFFFE70] =	vst v4  }
0x127: {  	[hbm4b:s0+s2] =	stream.linear.scatter [tilespmem:s1], [sflag:$0x1], $0xA000, $0x38;
	[tilespmem:$0x19140] =	vst v63  }
0x128: {  	s1 =	simm.s32 $0x1  }
0x129: {  	_ =	swait.ge [sflag:s1], $0xA000  }
0x12a: {  	[sflag:s1] =	ssyncset.done $0x0  }
0x12b: {  	[sflag:s1] =	ssyncadd.s32 $0xFFFF6000  }
0x12c: {  	_ =	swait.ge [sflag:s1], $0xA000  }
0x12d: {  	s3 =	rddreg [dreg:$0x9]  }
0x12e: {  	s0 =	rddreg [dreg:$0x8];
	s3 =	sadd.s32 $0x1, s3  }
0x12f: {  	p0 =	sne.s32 s3, s0  }
.Ltmp3:
0x130: {  	_ = 	snop;
	(pc) =	sbr.rel @p0 .LBB2_1-.Ltmp3, $3  }
0x131: {  	_ =	sdelay $0x1  }
0x132: {  	[sflag:s1] =	ssyncset.done $0x0  }
0x133: {  	[sflag:s1] =	ssyncadd.s32 $0xFFFF6000  }
0x134: {  	_ =	sfence.sel $0x180000  }
0x135: {  	[bflag:$0x0] =	sbarrier.arrive $0xFFFF  }
0x136: {  	_ =	strace $0x9000004A  }
0x137: {  	s0 =	stileid.u32;
	[bflag:$0x2] =	sbarrier.arrive $0xFFFF  }
0x138: {  	p0 =	sne.s32 s0, $0x0;
	s0 =	rddreg [dreg:$0x1]  }
0x139: {  	s0 =	sadd.s32 @!p0 $0x100000, s0  }
0x13a: {  	[sflag:s0] =	ssyncadd.tile.s32 @!p0 $0x1;
	_ =	shalt  }
.Lfunc_end2:
_tile_overlayer_lowered:
.L_overlay_start_2:
0x13b: {  	(tag) =	ssettag $0x2  }
0x13c: {  	s0 =	rddreg [dreg:$0x0];
	s2 =	stileid.u32  }
0x13d: {  	s1 =	rddreg [dreg:$0x1];
	p0 =	sne.s32 s2, $0x0  }
0x13e: {  	s3 =	rddreg [dreg:$0x2];
	[bflag:$0x3] =	sbarrier.arrive $0xFFFF;
	s2 =	simm.s32 @!p0 $0x1C02  }
0x13f: {  	[timem:s3], [sflag:s2] =	dma.local @!p0 [hbm:s0], s1  }
0x140: {  	s0 =	simm.s32 @!p0 $0x2  }
0x141: {  	_ =	swait.ge @!p0 [sflag:s0], s1  }
0x142: {  	s1 =	ssub.s32 @!p0 $0x0, s1;
	[sflag:s0] =	ssyncset.done @!p0 $0x0  }
0x143: {  	[sflag:s0] =	ssyncadd.s32 @!p0 s1  }
0x144: {  	[bflag:$0x3] =	sbarrier.arrive $0xFFFF  }
0x145: {  	_ =	shalt  }

// kernel: kernel.7.cloned.1.call-start
scs
__scs_entry_jumppad:
0x0: {  	(pc) =	sbr.rel $0x88, $3  }
0x1: {  	(tag) =	ssettag $0x0;
	lr =	simm.s32 $0x1  }
0x2: {  	[smem:$0x3F9B] =	sst lr;
	_ =	strace $0xD0000000  }
0x3: {  	_ = 	snop  }
0x4: {  	_ = 	snop  }
0x5: {  	_ = 	snop  }
0x6: {  	_ = 	snop  }
0x7: {  	_ = 	snop  }
__scs_overlays_trampoline_lowered:
0x8: {  	[smem:$0x3FAA] =	sst s0  }
0x9: {  	[smem:$0x3FAB] =	sst s1  }
0xa: {  	[smem:$0x3FAC] =	sst s2  }
0xb: {  	[smem:$0x3FAD] =	sst s3  }
0xc: {  	[smem:$0x3FAE] =	sst s4  }
0xd: {  	[smem:$0x3FAF] =	sst s5  }
0xe: {  	[smem:$0x3FB0] =	sst s6  }
0xf: {  	[smem:$0x3FB1] =	sst s7  }
0x10: {  	[smem:$0x3FB2] =	sst s8  }
0x11: {  	[smem:$0x3FB3] =	sst s9;
	s0 =	simm.s32 @!p0 $0x0  }
0x12: {  	s1 =	sld [smem:$0x3F99];
	s0 =	simm.s32 @p0 $0x1  }
0x13: {  	[smem:$0x3FB4] =	sst s0;
	s0 =	simm.s32 @!p1 $0x0  }
0x14: {  	s2 =	sld [smem:$0x3F98];
	s0 =	simm.s32 @p1 $0x1  }
0x15: {  	[smem:$0x3FB5] =	sst s0;
	s0 =	simm.s32 @!p2 $0x0  }
0x16: {  	s3 =	sld [smem:$0x3FDB];
	s0 =	simm.s32 @p2 $0x1  }
0x17: {  	s4 =	simm.s32 $0x1BF5;
	[smem:$0x3FB7] =	sst s0  }
0x18: {  	s0 =	sld [smem:$0x3F9A];
	_ =	swait.ge [sflag:s4], $0x0  }
0x19: {  	s7 =	sld [smem:$0x3F9B]  }
0x1a: {  	s8 =	sadd.s32 $0xFFFFE003, lr  }
0x1b: {  	s9 =	sadd.s32 $0xFFFFFEF7, lr;
	s5 =	simm.s32 $0xFFFFFFFF;
	p2 =	slt.u32 s8, $0xFFFFF086  }
0x1c: {  	p1 =	slt.u32 s9, $0xF7A;
	s5 =	simm.s32 @!p2 $0x0  }
0x1d: {  	s5 =	simm.s32 @p1 $0x1;
	p0 =	seq.s32 s7, s2  }
0x1e: {  	s7 =	smul.u32 @!p0 $0xF7A, s2;
	p2 =	seq.s32 @!p0 s5, $0x0  }
0x1f: {  	s9 =	smul.u32 $0xF7A, s1;
	s8 =	simm.s32 @!p0 $0x1BF5;
	p2 =	por !p2, p0  }
0x20: {  	[sflag:s8] =	ssyncset.s32 @!p0 $0xFFFFF086;
	s6 =	sadd.s32 @!p0 s3, s7;
	s7 =	simm.s32 @!p0 $0x108  }
0x21: {  	s3 =	sadd.s32 s3, s9;
	s6 =	sadd.s32 @!p0 $0x88, s6;
	s7 =	simm.s32 @p2 $0x1082  }
0x22: {  	[simem:s7], [sflag:s8] =	dma.local @!p0 [hbm:s6], $0xF7A  }
0x23: {  	s9 =	sor.u32 $0xD0000000, s2;
	s6 =	simm.s32 $0x108;
	_ =	swait.ge @!p0 [sflag:s8], $0x0  }
0x24: {  	s3 =	sadd.s32 $0x88, s3;
	s6 =	simm.s32 @!p1 $0x1082;
	[sflag:s4] =	ssyncset.s32 $0xFFFFF086  }
0x25: {  	[simem:s6], [sflag:s4] =	dma.local [hbm:s3], $0xF7A  }
0x26: {  	[smem:$0x3F9B] =	sst s1;
	(tag) =	ssettag s2;
	_ =	strace s9  }
0x27: {  	s1 =	sld [smem:$0x3FAB]  }
0x28: {  	s2 =	sld [smem:$0x3FAC]  }
0x29: {  	s4 =	sld [smem:$0x3FAE]  }
0x2a: {  	p0 =	seq.s32 s5, $0x0;
	s5 =	sld [smem:$0x3FAF]  }
0x2b: {  	s6 =	sld [smem:$0x3FB0]  }
0x2c: {  	s7 =	sld [smem:$0x3FB1]  }
0x2d: {  	s3 =	simm.s32 $0x108;
	s8 =	sld [smem:$0x3FB2]  }
0x2e: {  	s3 =	simm.s32 @!p0 $0x1082;
	s9 =	sld [smem:$0x3FB3]  }
0x2f: {  	lr =	sadd.s32 s0, s3;
	s0 =	sld [smem:$0x3FAA]  }
0x30: {  	s3 =	sld [smem:$0x3FAD]  }
0x31: {  	[smem:$0x3FB6] =	sst s10  }
0x32: {  	s10 =	sld [smem:$0x3FB4];
	_ =	sdelay $0x3  }
0x33: {  	p0 =	seq.s32 s10, $0x1;
	s10 =	sld [smem:$0x3FB6];
	_ =	sdelay $0x3  }
0x34: {  	[smem:$0x3FB6] =	sst s10  }
0x35: {  	s10 =	sld [smem:$0x3FB5];
	_ =	sdelay $0x3  }
0x36: {  	p1 =	seq.s32 s10, $0x1;
	s10 =	sld [smem:$0x3FB6];
	_ =	sdelay $0x3  }
0x37: {  	[smem:$0x3FB6] =	sst s10  }
0x38: {  	s10 =	sld [smem:$0x3FB7]  }
0x39: {  	_ = 	snop;
	(pc) =	sbr.ind lr, $3  }
0x3a: {  	_ = 	snop  }
0x3b: {  	_ = 	snop  }
0x3c: {  	p2 =	seq.s32 s10, $0x1;
	s10 =	sld [smem:$0x3FB6]  }
0x3d: {  	_ =	shalt  }
0x3e: {  	_ =	shalt  }
0x3f: {  	_ =	shalt  }
0x40: {  	_ =	shalt  }
0x41: {  	_ =	shalt  }
0x42: {  	_ =	shalt  }
0x43: {  	_ =	shalt  }
0x44: {  	_ =	shalt  }
0x45: {  	_ =	shalt  }
0x46: {  	_ =	shalt  }
0x47: {  	_ =	shalt  }
0x48: {  	_ =	shalt  }
0x49: {  	_ =	shalt  }
0x4a: {  	_ =	shalt  }
0x4b: {  	_ =	shalt  }
0x4c: {  	_ =	shalt  }
0x4d: {  	_ =	shalt  }
0x4e: {  	_ =	shalt  }
0x4f: {  	_ =	shalt  }
0x50: {  	_ =	shalt  }
0x51: {  	_ =	shalt  }
0x52: {  	_ =	shalt  }
0x53: {  	_ =	shalt  }
0x54: {  	_ =	shalt  }
0x55: {  	_ =	shalt  }
0x56: {  	_ =	shalt  }
0x57: {  	_ =	shalt  }
0x58: {  	_ =	shalt  }
0x59: {  	_ =	shalt  }
0x5a: {  	_ =	shalt  }
0x5b: {  	_ =	shalt  }
0x5c: {  	_ =	shalt  }
0x5d: {  	_ =	shalt  }
0x5e: {  	_ =	shalt  }
0x5f: {  	_ =	shalt  }
0x60: {  	_ =	shalt  }
0x61: {  	_ =	shalt  }
0x62: {  	_ =	shalt  }
0x63: {  	_ =	shalt  }
0x64: {  	_ =	shalt  }
0x65: {  	_ =	shalt  }
0x66: {  	_ =	shalt  }
0x67: {  	_ =	shalt  }
0x68: {  	_ =	shalt  }
0x69: {  	_ =	shalt  }
0x6a: {  	_ =	shalt  }
0x6b: {  	_ =	shalt  }
0x6c: {  	_ =	shalt  }
0x6d: {  	_ =	shalt  }
0x6e: {  	_ =	shalt  }
0x6f: {  	_ =	shalt  }
0x70: {  	_ =	shalt  }
0x71: {  	_ =	shalt  }
0x72: {  	_ =	shalt  }
0x73: {  	_ =	shalt  }
0x74: {  	_ =	shalt  }
0x75: {  	_ =	shalt  }
0x76: {  	_ =	shalt  }
0x77: {  	_ =	shalt  }
0x78: {  	_ =	shalt  }
0x79: {  	_ =	shalt  }
0x7a: {  	_ =	shalt  }
0x7b: {  	_ =	shalt  }
0x7c: {  	_ =	shalt  }
0x7d: {  	_ =	shalt  }
0x7e: {  	_ =	shalt  }
0x7f: {  	_ =	shalt  }
0x80: {  	_ =	shalt  }
0x81: {  	_ =	shalt  }
0x82: {  	_ =	shalt  }
0x83: {  	_ =	shalt  }
0x84: {  	_ =	shalt  }
0x85: {  	_ =	shalt  }
0x86: {  	_ =	shalt  }
0x87: {  	_ =	shalt  }
.Lfunc_end0:
.L_simem_size_0:
called_computation.2_lowered:
.L_overlay_start_0:
0x88: {  	s2 =	sld [smem:$0x3FD9]  }
0x89: {  	s3 =	sld [smem:$0x3FFE];
	_ =	sdelay $0x1  }
0x8a: {  	s1 =	srdreg.scid  }
0x8b: {  	s0 =	sand.u32 $0x1, s1  }
0x8c: {  	s16 =	sshll.u32 s0, $0xA;
	s2 =	sadd.s32 s3, s2  }
0x8d: {  	s2 =	sadd.s32 s2, s16  }
0x8e: {  	[smem:$0x3FC2] =	sst s2  }
0x8f: {  	_ = 	snop  }
0x90: {  	(tm) =	ssettm $0x1  }
0x91: {  	s17 =	sld [smem:$0x3FFB];
	_ =	sdelay $0x3  }
0x92: {  	_ =	strace s17  }
0x93: {  	s2 =	sld [smem:$0x3FFC];
	_ =	sdelay $0x3  }
0x94: {  	_ =	strace s2  }
0x95: {  	s2 =	sld [smem:$0x3FFD];
	_ =	sdelay $0x3  }
0x96: {  	_ =	strace s2  }
0x97: {  	_ =	strace $0x8FFFFFFF  }
0x98: {  	s18 =	sld [smem:$0x3FDB];
	_ =	sdelay $0x1  }
0x99: {  	s19 =	simm.s32 $_scs_section_size  }
0x9a: {  	s4 =	simm.s32 $_size__tile_overlayer_lowered;
	s5 =	simm.s32 $_tile_overlayer_lowered  }
0x9b: {  	s22 =	simm.s32 $0x1BFF;
	s21 =	sshll.u32 s5, $0x1;
	s2 =	sadd.s32 s19, s18  }
0x9c: {  	s6 =	simm.s32 $0x0;
	s20 =	sshll.u32 s4, $0x1;
	s4 =	sadd.s32 s21, s2  }
0x9d: {  	[timem:s6], [sflag:s22] =	dma.local [hbm:s4], s20  }
0x9e: {  	_ =	swait.ge [sflag:s22], s20  }
0x9f: {  	s3 =	ssub.s32 $0x0, s20;
	[sflag:s22] =	ssyncset.done $0x0  }
0xa0: {  	[sflag:s22] =	ssyncadd.s32 s3;
	_ =	sdelay $0x1  }
0xa1: {  	s23 =	simm.s32 $0x1B8B  }
0xa2: {  	_ =	swait.ge [sflag:s23], $0x1  }
0xa3: {  	[sflag:s23] =	ssyncset.done $0x0  }
0xa4: {  	s25 =	simm.s32 $0x1B8E;
	s24 =	sld [smem:$0x3FFE];
	[sflag:s23] =	ssyncadd.s32 $0xFFFFFFFF  }
0xa5: {  	s26 =	simm.s32 $execute0_lowered;
	[smem:$0x3FD2] =	sst s25  }
0xa6: {  	s4 =	sshll.u32 s26, $0x1;
	_ =	strace $0x80000046;
	[dreg:$0x1] =	wrdreg $0xFFFFFFFF  }
0xa7: {  	s28 =	simm.s32 $_size_execute0_lowered;
	s2 =	sadd.s32 s2, s4;
	[dreg:$0x0] =	wrdreg $0x0  }
0xa8: {  	s4 =	sshll.u32 s28, $0x1;
	[dreg:$0x2] =	wrdreg s2  }
0xa9: {  	[dreg:$0x3] =	wrdreg s4  }
0xaa: {  	[dreg:$0x4] =	wrdreg $0xC0  }
0xab: {  	_ =	task [dreg:s6], $0x5FFFF  }
0xac: {  	[dreg:$0x1] =	wrdreg $0xFFFFFFFF  }
0xad: {  	[dreg:$0x0] =	wrdreg $0x60  }
0xae: {  	[dreg:$0x2] =	wrdreg s24  }
0xaf: {  	[dreg:$0x3] =	wrdreg $0xA  }
0xb0: {  	_ =	task.clear_ibuf [dreg:s6], $0x4FFFF;
	_ =	strace $0x90000046  }
0xb1: {  	s29 =	simm.s32 $0xA;
	_ =	strace $0x80000048  }
0xb2: {  	_ =	swait.ge [sflag:s29], $0x1  }
0xb3: {  	[sflag:s29] =	ssyncadd.s32 $0xFFFFFFFF  }
0xb4: {  	_ =	strace $0x90000048  }
0xb5: {  	_ =	sfence  }
0xb6: {  	s30 =	sld [smem:$0x0];
	_ =	sdelay $0x2  }
0xb7: {  	s31 =	sshll.u32 s1, $0xD;
	s1 =	sshrl.u32 s1, $0x2  }
0xb8: {  	s3 =	sand.u32 $0x4000, s31;
	s1 =	sadd.s32 s1, s30  }
0xb9: {  	s0 =	sor.u32 s3, s0;
	s1 =	sshll.u32 s1, $0x11  }
0xba: {  	s0 =	sor.u32 s1, s0  }
0xbb: {  	s0 =	sadd.s32 $0x8F2B, s0  }
0xbc: {  	[sflag:s0] =	ssyncadd.remote.s32 $0x1  }
0xbd: {  	_ =	sfence.sel $0xFFFF  }
0xbe: {  	[dreg:$0x0] =	wrdreg $0xFFFFFFFF;
	(pc) =	sbr.abs _section_cstart, $3  }
0xbf: {  	[dreg:$0x1] =	wrdreg $0xFFFFFFFF  }
0xc0: {  	_ =	task.clear_ibuf [dreg:s6], $0x2FFFF;
	_ =	strace $0x9FFFFFFF  }
0xc1: {  	(tm) =	ssettm $0x7FFFFFFF  }
tec
execute0_lowered:
.L_overlay_start_1:
0x0: {  	(tag) =	ssettag $0x1  }
0x1: {  	s0 =	srdreg.scid  }
0x2: {  	s2 =	stileid.u32;
	s1 =	rddreg [dreg:$0x0];
	s0 =	sand.u32 $0x1, s0  }
0x3: {  	s3 =	sshll.u32 s2, $0x1;
	s2 =	simm.s32 $0x0;
	s5 =	sadd.s32 $0x1200, s1  }
0x4: {  	s25 =	sadd.s32 $0x1400, s1;
	s26 =	sadd.s32 $0x1600, s1;
	[smem:$0x7FF] =	sst s2  }
0x5: {  	s28 =	sadd.s32 $0x1000, s1;
	_ =	strace $0x80000047;
	[dreg:$0x2] =	wrdreg s5  }
0x6: {  	s3 =	sor.u32 s0, s3;
	s0 =	ssub.s32 $0x2, s0;
	[dreg:$0x3] =	wrdreg s25  }
0x7: {  	s4 =	smul.u32 $0x7D0, s3;
	[dreg:$0x4] =	wrdreg s26;
	s30 =	sshrl.u32 s0, $0x1  }
0x8: {  	s29 =	sadd.s32 $0x1800, s1;
	[dreg:$0x5] =	wrdreg s28;
	s0 =	ssub.s32 s0, s30  }
0x9: {  	[dreg:$0x6] =	wrdreg s29;
	s4 =	sadd.s32 s4, s1;
	s0 =	smax.u32 s0, $0x1  }
0xa: {  	s8 =	sadd.s32 $0x11400, s1;
	s31 =	sadd.s32 $0x1A00, s4;
	[dreg:$0x8] =	wrdreg s0  }
0xb: {  	v0 =	vlaneseq.u32;
	s9 =	smul.u32 $0xC80, s3;
	s3 =	simm.s32 $0x0;
	[dreg:$0x7] =	wrdreg s31  }
.LBB2_1:
0xc: {  	[dreg:$0x9] =	wrdreg s3  }
0xd: {  	s0 =	rddreg [dreg:$0x7];
	s1 =	simm.s32 $0x2  }
0xe: {  	[tilespmem:s2], [sflag:$0x2] =	stream.linear.gather [hbm4b:s0+s2], $0x3E80, $0x38;
	[tilespmem:$0x19140] =	vst v63  }
0xf: {  	_ =	swait.ge [sflag:s1], $0x3E80  }
0x10: {  	[sflag:s1] =	ssyncset.done $0x0  }
0x11: {  	s22 =	simm.s32 $0x17E80;
	s21 =	rddreg [dreg:$0x2];
	[sflag:s1] =	ssyncadd.s32 $0xFFFFC180  }
0x12: {  	[tilespmem:s22], [sflag:$0x2] =	stream.linear.gather [hbm4b:s21+s2], $0x300, $0x38;
	[tilespmem:$0x19140] =	vst v63  }
0x13: {  	_ =	swait.ge [sflag:s1], $0x300  }
0x14: {  	[sflag:s1] =	ssyncset.done $0x0  }
0x15: {  	s24 =	simm.s32 $0x18180;
	s23 =	rddreg [dreg:$0x3];
	[sflag:s1] =	ssyncadd.s32 $0xFFFFFD00  }
0x16: {  	[tilespmem:s24], [sflag:$0x2] =	stream.linear.gather [hbm4b:s23+s2], $0x7C0, $0x38;
	[tilespmem:$0x19140] =	vst v63  }
0x17: {  	_ =	swait.ge [sflag:s1], $0x7C0  }
0x18: {  	[sflag:s1] =	ssyncset.done $0x0  }
0x19: {  	s26 =	simm.s32 $0x18940;
	s25 =	rddreg [dreg:$0x4];
	[sflag:s1] =	ssyncadd.s32 $0xFFFFF840  }
0x1a: {  	[tilespmem:s26], [sflag:$0x2] =	stream.linear.gather [hbm4b:s25+s2], $0x600, $0x38;
	[tilespmem:$0x19140] =	vst v63  }
0x1b: {  	_ =	swait.ge [sflag:s1], $0x600  }
0x1c: {  	[sflag:s1] =	ssyncset.done $0x0  }
0x1d: {  	s29 =	simm.s32 $0x18F40;
	s28 =	rddreg [dreg:$0x5];
	[sflag:s1] =	ssyncadd.s32 $0xFFFFFA00  }
0x1e: {  	[tilespmem:s29], [sflag:$0x2] =	stream.linear.gather [hbm4b:s28+s2], $0x1C0, $0x38;
	[tilespmem:$0x19140] =	vst v63  }
0x1f: {  	_ =	swait.ge [sflag:s1], $0x1C0  }
0x20: {  	[sflag:s1] =	ssyncset.done $0x0  }
0x21: {  	s31 =	simm.s32 $0x19100;
	s30 =	rddreg [dreg:$0x6];
	[sflag:s1] =	ssyncadd.s32 $0xFFFFFE40  }
0x22: {  	[tilespmem:s31], [sflag:$0x2] =	stream.linear.gather [hbm4b:s30+s2], $0x40, $0x38;
	[tilespmem:$0x19140] =	vst v63  }
0x23: {  	_ =	swait.ge [sflag:s1], $0x40  }
0x24: {  	[sflag:s1] =	ssyncset.done $0x0  }
0x25: {  	[sflag:s1] =	ssyncadd.s32 $0xFFFFFFC0  }
0x26: {  	v1 =	vld [tilespmem:$0x19100]  }
0x27: {  	v2 =	vld [tilespmem:$0x19110]  }
0x28: {  	v3 =	vld [tilespmem:$0x19120]  }
0x29: {  	s0 =	simm.s32 $0xFFFB0000;
	v4 =	vld [tilespmem:$0x19130]  }
.LBB2_2:
0x2a: {  	p0 =	sne.s32 s0, $0xFFFFFB00  }
.Ltmp0:
0x2b: {  	s1 =	sshra.s32 s0, $0x2;
	(pc) =	sbr.rel @p0 .LBB2_2-.Ltmp0, $4  }
0x2c: {  	[tilespmem:s1+$0x17F80] =	vst v1  }
0x2d: {  	[tilespmem:s1+$0x17F90] =	vst v2  }
0x2e: {  	[tilespmem:s1+$0x17FA0] =	vst v3  }
0x2f: {  	s0 =	sadd.s32 $0x500, s0;
	[tilespmem:s1+$0x17FB0] =	vst v4  }
0x30: {  	s20 =	simm.s32 $0x0;
	p0 =	por $0x0, $0x0;
	s21 =	simm.s32 $0x0  }
.LBB2_4:
0x31: {  	p1 =	slt.u32 s21, $0x2;
	v1 =	vadd.s32 s20, v0;
	s0 =	sadd.s32 $0xF, s20  }
0x32: {  	s16 =	sadd.s32 $0x5, s20;
	s1 =	simm.s32 @!p1 $0x1;
	v2 =	vadd.s32 s0, v0  }
0x33: {  	v3 =	vadd.s32 s16, v0;
	_ =	swait.ge @!p1 [sflag:s1], $0xA000  }
0x34: {  	[sflag:s1] =	ssyncset.done @!p1 $0x0  }
0x35: {  	s17 =	sadd.s32 $0xA, s20;
	[sflag:s1] =	ssyncadd.s32 @!p1 $0xFFFF6000  }
0x36: {  	v4 =	vadd.s32 s17, v0;
	v1 =	vld.idx.msk [tilespmem:v1+s2+$0x0], $0xffff  }
0x37: {  	v2 =	vld.idx.msk [tilespmem:v2+s2+$0x0], $0xffff  }
0x38: {  	v3 =	vld.idx.msk [tilespmem:v3+s2+$0x0], $0xffff;
	_ =	sdelay $0x2  }
0x39: {  	v4 =	vld.idx.msk [tilespmem:v4+s2+$0x0], $0xffff;
	v1 =	vshll.u32 v1, $0x8  }
0x3a: {  	v1 =	vshra.s32 v1, $0x2;
	v2 =	vshll.u32 v2, $0x8  }
0x3b: {  	v3 =	vshll.u32 v3, $0x8;
	v2 =	vshra.s32 v2, $0x2;
	(v2sf) =	vpush v1, $0x1  }
0x3c: {  	v3 =	vshra.s32 v3, $0x2;
	(v2sf) =	vpush v2, $0x1  }
0x3d: {  	(v2sf) =	vpush v3, $0x1  }
0x3e: {  	v4 =	vshll.u32 v4, $0x8  }
0x3f: {  	v4 =	vshra.s32 v4, $0x2  }
0x40: {  	(v2sf) =	vpush v4, $0x1;
	_ =	sdelay $0x9  }
0x41: {  	s6 =	spop (v2sf)  }
0x42: {  	s0 =	simm.s32 $0x1;
	(v2sf) =	vpush v3, $0x2;
	s7 =	spop (v2sf)  }
0x43: {  	s0 =	simm.s32 @!p0 $0x0;
	(v2sf) =	vpush v4, $0x2;
	v5 =	vld [tilespmem:s7+$0x17E80];
	s10 =	spop (v2sf)  }
0x44: {  	s0 =	smul.u32 $0x28000, s0;
	(v2sf) =	vpush v1, $0x2;
	v6 =	vld [tilespmem:s10+$0x17E80]  }
0x45: {  	(v2sf) =	vpush v3, $0x3  }
0x46: {  	s0 =	sshrl.u32 s0, $0x2;
	s11 =	spop (v2sf);
	(v2sf) =	vpush v4, $0x3  }
0x47: {  	s22 =	sadd.s32 $0x4100, s0;
	v7 =	vld [tilespmem:s11+$0x17E80];
	(v2sf) =	vpush v1, $0x3  }
0x48: {  	(v2sf) =	vpush v3, $0x4;
	v3 =	vld [tilespmem:s6+$0x17E80];
	[tilespmem:s22+$0x140] =	vst v5  }
0x49: {  	(v2sf) =	vpush v4, $0x4;
	v4 =	vld [tilespmem:s7+$0x17E90];
	[tilespmem:s22+$0xFFFFFEC0] =	vst v6  }
0x4a: {  	(v2sf) =	vpush v1, $0x4;
	v1 =	vld [tilespmem:s10+$0x17E90]  }
0x4b: {  	(v2sf) =	vpush v2, $0x2  }
0x4c: {  	[tilespmem:s22+$0x0] =	vst v7  }
0x4d: {  	[tilespmem:s22+$0xFFFFFD80] =	vst v3;
	v3 =	vld [tilespmem:s11+$0x17E90]  }
0x4e: {  	v5 =	vld [tilespmem:s6+$0x17E90];
	[tilespmem:s22+$0x150] =	vst v4  }
0x4f: {  	v4 =	vld [tilespmem:s7+$0x17EA0];
	[tilespmem:s22+$0xFFFFFED0] =	vst v1  }
0x50: {  	v1 =	vld [tilespmem:s10+$0x17EA0]  }
0x51: {  	s5 =	spop (v2sf)  }
0x52: {  	s4 =	spop (v2sf);
	[tilespmem:s22+$0x10] =	vst v3  }
0x53: {  	s3 =	spop (v2sf);
	[tilespmem:s22+$0xFFFFFD90] =	vst v5;
	v3 =	vld [tilespmem:s11+$0x17EA0]  }
0x54: {  	s1 =	spop (v2sf);
	v5 =	vld [tilespmem:s6+$0x17EA0];
	[tilespmem:s22+$0x160] =	vst v4  }
0x55: {  	s0 =	spop (v2sf);
	v4 =	vld [tilespmem:s7+$0x17EB0];
	[tilespmem:s22+$0xFFFFFEE0] =	vst v1  }
0x56: {  	s15 =	spop (v2sf);
	v1 =	vld [tilespmem:s10+$0x17EB0]  }
0x57: {  	s25 =	spop (v2sf)  }
0x58: {  	s23 =	spop (v2sf);
	[tilespmem:s22+$0x20] =	vst v3  }
0x59: {  	s24 =	spop (v2sf);
	[tilespmem:s22+$0xFFFFFDA0] =	vst v5;
	v3 =	vld [tilespmem:s11+$0x17EB0]  }
0x5a: {  	v5 =	vld [tilespmem:s6+$0x17EB0];
	s18 =	spop (v2sf);
	[tilespmem:s22+$0x170] =	vst v4  }
0x5b: {  	v4 =	vld [tilespmem:s18+$0x18180];
	[tilespmem:s22+$0xFFFFFEF0] =	vst v1  }
0x5c: {  	v1 =	vld [tilespmem:s5+$0x18180];
	_ =	sdelay $0x1  }
0x5d: {  	[tilespmem:s22+$0x30] =	vst v3  }
0x5e: {  	[tilespmem:s22+$0xFFFFFDB0] =	vst v5;
	v3 =	vld [tilespmem:s4+$0x18180]  }
0x5f: {  	v5 =	vld [tilespmem:s3+$0x18180];
	[tilespmem:s22+$0x180] =	vst v4  }
0x60: {  	v4 =	vld [tilespmem:s18+$0x18190];
	[tilespmem:s22+$0xFFFFFF00] =	vst v1  }
0x61: {  	s17 =	sadd.s32 $0x14, s20;
	v1 =	vld [tilespmem:s5+$0x18190]  }
0x62: {  	s26 =	sadd.s32 $0x5, s17;
	(v2sf) =	vpush v2, $0x3  }
0x63: {  	v7 =	vadd.s32 s26, v0;
	[tilespmem:s22+$0x40] =	vst v3  }
0x64: {  	[tilespmem:s22+$0xFFFFFDC0] =	vst v5;
	v3 =	vld [tilespmem:s4+$0x18190]  }
0x65: {  	v5 =	vld [tilespmem:s3+$0x18190];
	[tilespmem:s22+$0x190] =	vst v4  }
0x66: {  	v4 =	vld [tilespmem:s18+$0x181A0];
	[tilespmem:s22+$0xFFFFFF10] =	vst v1;
	v1 =	vadd.s32 s17, v0;
	_ =	sdelay $0x1  }
0x67: {  	s19 =	sadd.s32 $0xF, s17;
	v7 =	vld.idx.msk [tilespmem:v7+s2+$0x0], $0xffff  }
0x68: {  	s10 =	sadd.s32 $0xA, s17;
	v6 =	vld [tilespmem:s5+$0x181A0];
	[tilespmem:s22+$0x50] =	vst v3;
	v3 =	vadd.s32 s19, v0  }
0x69: {  	v9 =	vadd.s32 s10, v0;
	[tilespmem:s22+$0xFFFFFDD0] =	vst v5;
	v5 =	vld [tilespmem:s4+$0x181A0]  }
0x6a: {  	[tilespmem:s22+$0x1A0] =	vst v4;
	v1 =	vld.idx.msk [tilespmem:v1+s2+$0x0], $0xffff  }
0x6b: {  	v4 =	vld [tilespmem:s18+$0x181B0]  }
0x6c: {  	v8 =	vld [tilespmem:s3+$0x181A0]  }
0x6d: {  	v3 =	vld.idx.msk [tilespmem:v3+s2+$0x0], $0xffff  }
0x6e: {  	[tilespmem:s22+$0xFFFFFF20] =	vst v6;
	v6 =	vld.idx.msk [tilespmem:v9+s2+$0x0], $0xffff  }
0x6f: {  	v60 =	vld [tilespmem:s5+$0x181B0]  }
0x70: {  	s11 =	spop (v2sf);
	v1 =	vshll.u32 v1, $0x8;
	[tilespmem:s22+$0x1B0] =	vst v4  }
0x71: {  	[tilespmem:s22+$0x60] =	vst v5;
	v5 =	vshra.s32 v1, $0x2;
	v4 =	vld [tilespmem:s11+$0x18940]  }
0x72: {  	[tilespmem:s22+$0xFFFFFDE0] =	vst v8;
	v1 =	vshll.u32 v3, $0x8;
	(v2sf) =	vpush v5, $0x1  }
0x73: {  	v7 =	vshll.u32 v7, $0x8;
	v8 =	vld [tilespmem:s3+$0x181B0];
	v1 =	vshra.s32 v1, $0x2  }
0x74: {  	v7 =	vshra.s32 v7, $0x2;
	v6 =	vshll.u32 v6, $0x8;
	v3 =	vld [tilespmem:s4+$0x181B0];
	[tilespmem:s22+$0xFFFFFF30] =	vst v60;
	(v2sf) =	vpush v1, $0x1  }
0x75: {  	v6 =	vshra.s32 v6, $0x2;
	v9 =	vld [tilespmem:s1+$0x18940];
	(v2sf) =	vpush v7, $0x1  }
0x76: {  	(v2sf) =	vpush v6, $0x1;
	[tilespmem:s22+$0x1C0] =	vst v4  }
0x77: {  	v4 =	vld [tilespmem:s11+$0x18950]  }
0x78: {  	[tilespmem:s22+$0xFFFFFDF0] =	vst v8;
	(v2sf) =	vpush v7, $0x2  }
0x79: {  	[tilespmem:s22+$0x70] =	vst v3;
	v3 =	vld [tilespmem:s15+$0x18940];
	(v2sf) =	vpush v2, $0x4  }
0x7a: {  	v2 =	vld [tilespmem:s0+$0x18940];
	[tilespmem:s22+$0xFFFFFF40] =	vst v9  }
0x7b: {  	v8 =	vld [tilespmem:s1+$0x18950]  }
0x7c: {  	[tilespmem:s22+$0x1D0] =	vst v4  }
0x7d: {  	v4 =	vld [tilespmem:s11+$0x18960]  }
0x7e: {  	[tilespmem:s22+$0xFFFFFE00] =	vst v3  }
0x7f: {  	[tilespmem:s22+$0x80] =	vst v2;
	v3 =	vld [tilespmem:s15+$0x18950]  }
0x80: {  	v2 =	vld [tilespmem:s0+$0x18950];
	[tilespmem:s22+$0xFFFFFF50] =	vst v8  }
0x81: {  	v8 =	vld [tilespmem:s1+$0x18960];
	s12 =	spop (v2sf)  }
0x82: {  	(v2sf) =	vpush v6, $0x2;
	v61 =	vld [tilespmem:s12+$0x17E80];
	[tilespmem:s22+$0x1E0] =	vst v4  }
0x83: {  	(v2sf) =	vpush v5, $0x2;
	s13 =	spop (v2sf);
	v4 =	vld [tilespmem:s11+$0x18970]  }
0x84: {  	(v2sf) =	vpush v7, $0x3;
	[tilespmem:s22+$0xFFFFFE10] =	vst v3;
	v10 =	vld [tilespmem:s13+$0x17E80];
	s14 =	spop (v2sf)  }
0x85: {  	(v2sf) =	vpush v6, $0x3;
	[tilespmem:s22+$0x90] =	vst v2;
	v2 =	vld [tilespmem:s14+$0x17E80];
	s18 =	spop (v2sf)  }
0x86: {  	s26 =	sadd.s32 $0x500, s22;
	(v2sf) =	vpush v5, $0x3;
	[tilespmem:s22+$0xFFFFFF60] =	vst v8;
	v3 =	vld [tilespmem:s18+$0x17E80]  }
0x87: {  	(v2sf) =	vpush v7, $0x4;
	v7 =	vld [tilespmem:s15+$0x18960];
	s16 =	spop (v2sf);
	[tilespmem:s26+$0xFFFFFD80] =	vst v61  }
0x88: {  	(v2sf) =	vpush v6, $0x4;
	s19 =	spop (v2sf);
	v6 =	vld [tilespmem:s12+$0x17E90];
	[tilespmem:s22+$0x1F0] =	vst v4  }
0x89: {  	[tilespmem:s26+$0x140] =	vst v10;
	v8 =	vld [tilespmem:s19+$0x18F40]  }
0x8a: {  	[tilespmem:s26+$0xFFFFFEC0] =	vst v2;
	v2 =	vld [tilespmem:s13+$0x17E90]  }
0x8b: {  	(v2sf) =	vpush v5, $0x4;
	v5 =	vld [tilespmem:s14+$0x17E90];
	[tilespmem:s26+$0x0] =	vst v3  }
0x8c: {  	(v2sf) =	vpush v1, $0x2;
	v3 =	vld [tilespmem:s18+$0x17E90]  }
0x8d: {  	v4 =	vld [tilespmem:s0+$0x18960];
	[tilespmem:s26+$0xFFFFFD90] =	vst v6  }
0x8e: {  	v6 =	vld [tilespmem:s12+$0x17EA0];
	[tilespmem:s22+$0x200] =	vst v8  }
0x8f: {  	[tilespmem:s26+$0x150] =	vst v2;
	v2 =	vld [tilespmem:s1+$0x18970]  }
0x90: {  	[tilespmem:s26+$0xFFFFFED0] =	vst v5;
	v5 =	vld [tilespmem:s13+$0x17EA0]  }
0x91: {  	v8 =	vld [tilespmem:s14+$0x17EA0];
	[tilespmem:s26+$0x10] =	vst v3  }
0x92: {  	[tilespmem:s22+$0xA0] =	vst v4;
	v3 =	vld [tilespmem:s18+$0x17EA0]  }
0x93: {  	s3 =	spop (v2sf);
	v4 =	vld [tilespmem:s19+$0x18F50];
	[tilespmem:s26+$0xFFFFFDA0] =	vst v6  }
0x94: {  	s4 =	spop (v2sf);
	[tilespmem:s22+$0xFFFFFE20] =	vst v7;
	v6 =	vld [tilespmem:s12+$0x17EB0]  }
0x95: {  	s30 =	spop (v2sf);
	[tilespmem:s26+$0x160] =	vst v5;
	v5 =	vld [tilespmem:s0+$0x18970]  }
0x96: {  	s31 =	spop (v2sf);
	[tilespmem:s26+$0xFFFFFEE0] =	vst v8;
	v7 =	vld [tilespmem:s13+$0x17EB0]  }
0x97: {  	s1 =	spop (v2sf);
	v8 =	vld [tilespmem:s14+$0x17EB0];
	[tilespmem:s26+$0x20] =	vst v3  }
0x98: {  	[tilespmem:s22+$0xFFFFFF70] =	vst v2;
	s14 =	spop (v2sf);
	v3 =	vld [tilespmem:s18+$0x17EB0]  }
0x99: {  	[tilespmem:s22+$0x210] =	vst v4;
	v62 =	vld [tilespmem:s25+$0x18F40];
	s0 =	spop (v2sf)  }
0x9a: {  	v4 =	vld [tilespmem:s19+$0x18F60];
	s13 =	spop (v2sf);
	[tilespmem:s26+$0xFFFFFDB0] =	vst v6  }
0x9b: {  	s5 =	spop (v2sf);
	v6 =	vld [tilespmem:s4+$0x18180];
	[tilespmem:s26+$0x170] =	vst v7  }
0x9c: {  	[tilespmem:s26+$0xFFFFFEF0] =	vst v8;
	v7 =	vld [tilespmem:s5+$0x18180]  }
0x9d: {  	v8 =	vld [tilespmem:s16+$0x18180];
	[tilespmem:s26+$0x30] =	vst v3  }
0x9e: {  	[tilespmem:s22+$0xB0] =	vst v5;
	v3 =	vld [tilespmem:s3+$0x18180]  }
0x9f: {  	[tilespmem:s22+$0x220] =	vst v4;
	v4 =	vld [tilespmem:s15+$0x18970]  }
0xa0: {  	v2 =	vld [tilespmem:s19+$0x18F70];
	[tilespmem:s26+$0xFFFFFDC0] =	vst v6  }
0xa1: {  	v5 =	vld [tilespmem:s4+$0x18190];
	[tilespmem:s26+$0x180] =	vst v7  }
0xa2: {  	[tilespmem:s26+$0xFFFFFF00] =	vst v8;
	v7 =	vld [tilespmem:s5+$0x18190]  }
0xa3: {  	v8 =	vld [tilespmem:s16+$0x18190];
	[tilespmem:s26+$0x40] =	vst v3  }
0xa4: {  	(v2sf) =	vpush v1, $0x3;
	[tilespmem:s22+$0xFFFFFE30] =	vst v4;
	v63 =	vld [tilespmem:s3+$0x18190]  }
0xa5: {  	[tilespmem:s22+$0x230] =	vst v2;
	v2 =	vld [tilespmem:s23+$0x18F40]  }
0xa6: {  	[tilespmem:s22+$0xFFFFFF80] =	vst v62;
	v4 =	vld [tilespmem:s24+$0x18F40]  }
0xa7: {  	v3 =	vld [tilespmem:s25+$0x18F50];
	[tilespmem:s26+$0x190] =	vst v7  }
0xa8: {  	s28 =	sand.u32 $0x1, s21;
	[tilespmem:s26+$0xFFFFFF10] =	vst v8;
	v6 =	vld [tilespmem:s5+$0x181A0]  }
0xa9: {  	s29 =	sshll.u32 s21, $0x7;
	s17 =	sadd.s32 $0x14, s17;
	s15 =	simm.s32 $0x4;
	v7 =	vld [tilespmem:s16+$0x181A0];
	[tilespmem:s26+$0x50] =	vst v63  }
.LBB2_5:
0xaa: {  	v8 =	vadd.s32 s17, v0;
	s6 =	sadd.s32 $0x5, s17;
	s7 =	sadd.s32 $0xF, s17;
	s15 =	sadd.s32 $0x4, s15;
	[tilespmem:s26+$0xFFFFFDD0] =	vst v5;
	v5 =	vld [tilespmem:s3+$0x181A0]  }
0xab: {  	v9 =	vadd.s32 s6, v0;
	s6 =	sadd.s32 $0xA, s17;
	v10 =	vadd.s32 s7, v0;
	p1 =	slt.u32 s15, $0x7C;
	v11 =	vld [tilespmem:s4+$0x181A0];
	[tilespmem:s22+$0xC0] =	vst v2  }
0xac: {  	v2 =	vadd.s32 s6, v0;
	[tilespmem:s22+$0xFFFFFE40] =	vst v4;
	v4 =	vld [tilespmem:s23+$0x18F50]  }
0xad: {  	[tilespmem:s26+$0x1A0] =	vst v6;
	v6 =	vld [tilespmem:s24+$0x18F50]  }
0xae: {  	[tilespmem:s26+$0xFFFFFF20] =	vst v7;
	v7 =	vld [tilespmem:s5+$0x181B0]  }
0xaf: {  	v8 =	vld.idx.msk [tilespmem:v8+s2+$0x0], $0xffff;
	[tilespmem:s26+$0x60] =	vst v5  }
0xb0: {  	v5 =	vld.idx.msk [tilespmem:v10+s2+$0x0], $0xffff;
	[tilespmem:s26+$0xFFFFFDE0] =	vst v11  }
0xb1: {  	v9 =	vld.idx.msk [tilespmem:v9+s2+$0x0], $0xffff;
	[tilespmem:s22+$0xFFFFFF90] =	vst v3  }
0xb2: {  	v2 =	vld.idx.msk [tilespmem:v2+s2+$0x0], $0xffff;
	[tilespmem:s22+$0xD0] =	vst v4  }
0xb3: {  	v3 =	vld [tilespmem:s16+$0x181B0];
	[tilespmem:s26+$0x1B0] =	vst v7;
	s16 =	spop (v2sf)  }
0xb4: {  	v4 =	vld [tilespmem:s16+$0x18940];
	[tilespmem:s22+$0xFFFFFE50] =	vst v6  }
0xb5: {  	v6 =	vshll.u32 v8, $0x8;
	v7 =	vld [tilespmem:s3+$0x181B0]  }
0xb6: {  	v6 =	vshra.s32 v6, $0x2;
	v5 =	vshll.u32 v5, $0x8;
	v8 =	vld [tilespmem:s4+$0x181B0]  }
0xb7: {  	v9 =	vshll.u32 v9, $0x8;
	v5 =	vshra.s32 v5, $0x2;
	(v2sf) =	vpush v6, $0x1;
	v10 =	vld [tilespmem:s25+$0x18F60]  }
0xb8: {  	v9 =	vshra.s32 v9, $0x2;
	v2 =	vshll.u32 v2, $0x8;
	(v2sf) =	vpush v5, $0x1;
	[tilespmem:s26+$0xFFFFFF30] =	vst v3;
	v3 =	vld [tilespmem:s23+$0x18F60]  }
0xb9: {  	v2 =	vshra.s32 v2, $0x2;
	(v2sf) =	vpush v9, $0x1;
	v11 =	vld [tilespmem:s30+$0x18940];
	[tilespmem:s26+$0x1C0] =	vst v4  }
0xba: {  	(v2sf) =	vpush v2, $0x1;
	[tilespmem:s26+$0x70] =	vst v7;
	v4 =	vld [tilespmem:s16+$0x18950]  }
0xbb: {  	(v2sf) =	vpush v9, $0x2;
	[tilespmem:s26+$0xFFFFFDF0] =	vst v8;
	v7 =	vld [tilespmem:s31+$0x18940]  }
0xbc: {  	v8 =	vld [tilespmem:s1+$0x18940];
	(v2sf) =	vpush v1, $0x4;
	[tilespmem:s22+$0xFFFFFFA0] =	vst v10;
	v1 =	vmov v5  }
0xbd: {  	(v2sf) =	vpush v2, $0x2;
	v5 =	vld [tilespmem:s24+$0x18F60];
	[tilespmem:s22+$0xE0] =	vst v3  }
0xbe: {  	(v2sf) =	vpush v6, $0x2;
	[tilespmem:s26+$0xFFFFFF40] =	vst v11;
	v3 =	vld [tilespmem:s25+$0x18F70];
	s25 =	smov.u32 s14  }
0xbf: {  	(v2sf) =	vpush v9, $0x3;
	v10 =	vld [tilespmem:s30+$0x18950];
	[tilespmem:s26+$0x1D0] =	vst v4  }
0xc0: {  	(v2sf) =	vpush v2, $0x3;
	[tilespmem:s26+$0x80] =	vst v7;
	v4 =	vld [tilespmem:s16+$0x18960]  }
0xc1: {  	(v2sf) =	vpush v6, $0x3;
	[tilespmem:s26+$0xFFFFFE00] =	vst v8;
	v7 =	vld [tilespmem:s31+$0x18950]  }
0xc2: {  	(v2sf) =	vpush v9, $0x4;
	v8 =	vld [tilespmem:s1+$0x18950];
	[tilespmem:s22+$0xFFFFFE60] =	vst v5  }
0xc3: {  	(v2sf) =	vpush v2, $0x4;
	[tilespmem:s22+$0xFFFFFFB0] =	vst v3;
	v2 =	vld [tilespmem:s23+$0x18F70];
	s23 =	smov.u32 s0  }
0xc4: {  	(v2sf) =	vpush v6, $0x4;
	[tilespmem:s26+$0xFFFFFF50] =	vst v10;
	v3 =	vld [tilespmem:s24+$0x18F70];
	s24 =	smov.u32 s13  }
0xc5: {  	v5 =	vld [tilespmem:s30+$0x18960];
	[tilespmem:s26+$0x1E0] =	vst v4  }
0xc6: {  	s5 =	spop (v2sf);
	[tilespmem:s26+$0x90] =	vst v7;
	v4 =	vld [tilespmem:s16+$0x18970]  }
0xc7: {  	v6 =	vld [tilespmem:s5+$0x17E80];
	s6 =	spop (v2sf);
	[tilespmem:s26+$0xFFFFFE10] =	vst v8  }
0xc8: {  	v7 =	vld [tilespmem:s6+$0x17E80];
	s7 =	spop (v2sf);
	[tilespmem:s22+$0xF0] =	vst v2  }
0xc9: {  	v2 =	vld [tilespmem:s7+$0x17E80];
	s10 =	spop (v2sf);
	[tilespmem:s22+$0xFFFFFE70] =	vst v3;
	s22 =	smov.u32 s26  }
0xca: {  	v3 =	vld [tilespmem:s10+$0x17E80];
	s16 =	spop (v2sf);
	[tilespmem:s26+$0xFFFFFF60] =	vst v5  }
0xcb: {  	v5 =	vld [tilespmem:s31+$0x18960];
	[tilespmem:s26+$0x1F0] =	vst v4;
	s11 =	spop (v2sf)  }
0xcc: {  	s26 =	sadd.s32 $0x500, s26;
	s3 =	spop (v2sf);
	v4 =	vld [tilespmem:s11+$0x18F40]  }
0xcd: {  	[tilespmem:s26+$0x140] =	vst v7;
	s4 =	spop (v2sf);
	v7 =	vld [tilespmem:s1+$0x18960]  }
0xce: {  	[tilespmem:s26+$0xFFFFFEC0] =	vst v2;
	v2 =	vld [tilespmem:s6+$0x17E90];
	s18 =	spop (v2sf)  }
0xcf: {  	v8 =	vld [tilespmem:s7+$0x17E90];
	[tilespmem:s26+$0x0] =	vst v3;
	s19 =	spop (v2sf)  }
0xd0: {  	[tilespmem:s26+$0xFFFFFD80] =	vst v6;
	v3 =	vld [tilespmem:s10+$0x17E90];
	s12 =	spop (v2sf);
	(v2sf) =	vpush v1, $0x2  }
0xd1: {  	v6 =	vld [tilespmem:s5+$0x17E90];
	s14 =	spop (v2sf);
	[tilespmem:s22+$0x200] =	vst v4  }
0xd2: {  	s0 =	spop (v2sf);
	[tilespmem:s22+$0xA0] =	vst v5;
	v4 =	vld [tilespmem:s11+$0x18F50]  }
0xd3: {  	[tilespmem:s26+$0x150] =	vst v2;
	s13 =	spop (v2sf);
	v2 =	vld [tilespmem:s30+$0x18970];
	s30 =	smov.u32 s18  }
0xd4: {  	[tilespmem:s26+$0xFFFFFED0] =	vst v8;
	v5 =	vld [tilespmem:s6+$0x17EA0]  }
0xd5: {  	v8 =	vld [tilespmem:s7+$0x17EA0];
	[tilespmem:s26+$0x10] =	vst v3  }
0xd6: {  	[tilespmem:s26+$0xFFFFFD90] =	vst v6;
	v3 =	vld [tilespmem:s10+$0x17EA0]  }
0xd7: {  	v6 =	vld [tilespmem:s5+$0x17EA0];
	[tilespmem:s22+$0x210] =	vst v4  }
0xd8: {  	[tilespmem:s22+$0xFFFFFE20] =	vst v7;
	v4 =	vld [tilespmem:s11+$0x18F60]  }
0xd9: {  	[tilespmem:s26+$0x160] =	vst v5;
	v5 =	vld [tilespmem:s31+$0x18970];
	s31 =	smov.u32 s19  }
0xda: {  	[tilespmem:s26+$0xFFFFFEE0] =	vst v8;
	v7 =	vld [tilespmem:s6+$0x17EB0]  }
0xdb: {  	v8 =	vld [tilespmem:s7+$0x17EB0];
	[tilespmem:s26+$0x20] =	vst v3  }
0xdc: {  	[tilespmem:s26+$0xFFFFFDA0] =	vst v6;
	v3 =	vld [tilespmem:s10+$0x17EB0]  }
0xdd: {  	v6 =	vld [tilespmem:s5+$0x17EB0];
	[tilespmem:s22+$0x220] =	vst v4  }
0xde: {  	[tilespmem:s22+$0xFFFFFF70] =	vst v2;
	v2 =	vld [tilespmem:s11+$0x18F70]  }
0xdf: {  	[tilespmem:s26+$0x170] =	vst v7;
	s5 =	spop (v2sf);
	v4 =	vld [tilespmem:s1+$0x18970];
	s1 =	smov.u32 s12  }
0xe0: {  	[tilespmem:s26+$0xFFFFFEF0] =	vst v8;
	v7 =	vld [tilespmem:s5+$0x18180]  }
0xe1: {  	v8 =	vld [tilespmem:s16+$0x18180];
	[tilespmem:s26+$0x30] =	vst v3  }
0xe2: {  	[tilespmem:s26+$0xFFFFFDB0] =	vst v6;
	v3 =	vld [tilespmem:s3+$0x18180]  }
0xe3: {  	v6 =	vld [tilespmem:s4+$0x18180];
	[tilespmem:s22+$0x230] =	vst v2  }
0xe4: {  	v9 =	vld [tilespmem:s25+$0x18F40];
	[tilespmem:s22+$0xB0] =	vst v5  }
0xe5: {  	[tilespmem:s26+$0x180] =	vst v7;
	v2 =	vld [tilespmem:s23+$0x18F40]  }
0xe6: {  	[tilespmem:s26+$0xFFFFFF00] =	vst v8;
	v7 =	vld [tilespmem:s5+$0x18190]  }
0xe7: {  	v8 =	vld [tilespmem:s16+$0x18190];
	[tilespmem:s26+$0x40] =	vst v3  }
0xe8: {  	[tilespmem:s26+$0xFFFFFDC0] =	vst v6;
	v10 =	vld [tilespmem:s3+$0x18190];
	(v2sf) =	vpush v1, $0x3  }
.Ltmp1:
0xe9: {  	v5 =	vld [tilespmem:s4+$0x18190];
	[tilespmem:s22+$0xFFFFFE30] =	vst v4;
	(pc) =	sbr.rel @p1 .LBB2_5-.Ltmp1, $4  }
0xea: {  	v4 =	vld [tilespmem:s24+$0x18F40];
	[tilespmem:s22+$0xFFFFFF80] =	vst v9  }
0xeb: {  	[tilespmem:s26+$0x190] =	vst v7;
	v3 =	vld [tilespmem:s25+$0x18F50]  }
0xec: {  	[tilespmem:s26+$0xFFFFFF10] =	vst v8;
	v6 =	vld [tilespmem:s5+$0x181A0]  }
0xed: {  	s17 =	sadd.s32 $0x14, s17;
	v7 =	vld [tilespmem:s16+$0x181A0];
	[tilespmem:s26+$0x50] =	vst v10  }
0xee: {  	[tilespmem:s26+$0xFFFFFDD0] =	vst v5;
	v51 =	vld [tilespmem:s3+$0x181A0]  }
0xef: {  	v8 =	vld [tilespmem:s4+$0x181A0];
	_ =	sdelay $0x1  }
0xf0: {  	[tilespmem:s26+$0x1A0] =	vst v6  }
0xf1: {  	[tilespmem:s26+$0xFFFFFF20] =	vst v7;
	v6 =	vld [tilespmem:s5+$0x181B0]  }
0xf2: {  	[tilespmem:s26+$0x60] =	vst v51;
	v52 =	vld [tilespmem:s16+$0x181B0]  }
0xf3: {  	[tilespmem:s26+$0xFFFFFDE0] =	vst v8;
	v53 =	vld [tilespmem:s3+$0x181B0]  }
0xf4: {  	v8 =	vld [tilespmem:s4+$0x181B0];
	_ =	sdelay $0x1  }
0xf5: {  	[tilespmem:s26+$0x1B0] =	vst v6;
	s18 =	spop (v2sf)  }
0xf6: {  	v6 =	vld [tilespmem:s18+$0x18940];
	[tilespmem:s26+$0xFFFFFF30] =	vst v52  }
0xf7: {  	v5 =	vld [tilespmem:s30+$0x18940];
	[tilespmem:s26+$0x70] =	vst v53  }
0xf8: {  	[tilespmem:s26+$0xFFFFFDF0] =	vst v8;
	v7 =	vld [tilespmem:s31+$0x18940]  }
0xf9: {  	v8 =	vld [tilespmem:s1+$0x18940];
	_ =	sdelay $0x1  }
0xfa: {  	[tilespmem:s26+$0x1C0] =	vst v6  }
0xfb: {  	v6 =	vld [tilespmem:s18+$0x18950];
	[tilespmem:s26+$0xFFFFFF40] =	vst v5  }
0xfc: {  	v5 =	vld [tilespmem:s30+$0x18950];
	[tilespmem:s26+$0x80] =	vst v7  }
0xfd: {  	(v2sf) =	vpush v1, $0x4;
	[tilespmem:s26+$0xFFFFFE00] =	vst v8;
	v1 =	vld [tilespmem:s31+$0x18950]  }
0xfe: {  	v54 =	vld [tilespmem:s1+$0x18950];
	_ =	sdelay $0x1  }
0xff: {  	[tilespmem:s26+$0x1D0] =	vst v6  }
0x100: {  	v6 =	vld [tilespmem:s18+$0x18960];
	[tilespmem:s26+$0xFFFFFF50] =	vst v5  }
0x101: {  	v5 =	vld [tilespmem:s30+$0x18960];
	[tilespmem:s26+$0x90] =	vst v1  }
0x102: {  	[tilespmem:s26+$0xFFFFFE10] =	vst v54;
	v1 =	vld [tilespmem:s31+$0x18960]  }
0x103: {  	v7 =	vld [tilespmem:s1+$0x18960]  }
0x104: {  	[tilespmem:s22+$0xC0] =	vst v2  }
0x105: {  	[tilespmem:s26+$0x1E0] =	vst v6  }
0x106: {  	v2 =	vld [tilespmem:s18+$0x18970];
	[tilespmem:s26+$0xFFFFFF60] =	vst v5  }
0x107: {  	[tilespmem:s26+$0xA0] =	vst v1;
	v1 =	vld [tilespmem:s30+$0x18970]  }
0x108: {  	[tilespmem:s26+$0xFFFFFE20] =	vst v7;
	v55 =	vld [tilespmem:s31+$0x18970]  }
0x109: {  	[tilespmem:s22+$0xFFFFFE40] =	vst v4;
	v56 =	vld [tilespmem:s1+$0x18970]  }
0x10a: {  	v57 =	vld [tilespmem:s23+$0x18F50];
	[tilespmem:s22+$0xFFFFFF90] =	vst v3  }
0x10b: {  	v3 =	vld [tilespmem:s24+$0x18F50];
	s19 =	spop (v2sf);
	[tilespmem:s26+$0x1F0] =	vst v2  }
0x10c: {  	v2 =	vld [tilespmem:s19+$0x18F40];
	[tilespmem:s26+$0xFFFFFF70] =	vst v1  }
0x10d: {  	v1 =	vld [tilespmem:s14+$0x18F40];
	[tilespmem:s26+$0xB0] =	vst v55  }
0x10e: {  	v5 =	vld [tilespmem:s0+$0x18F40];
	[tilespmem:s26+$0xFFFFFE30] =	vst v56  }
0x10f: {  	[tilespmem:s22+$0xD0] =	vst v57;
	v4 =	vld [tilespmem:s13+$0x18F40]  }
0x110: {  	[tilespmem:s22+$0xFFFFFE50] =	vst v3;
	v3 =	vld [tilespmem:s25+$0x18F60]  }
0x111: {  	v59 =	vld [tilespmem:s24+$0x18F60];
	[tilespmem:s26+$0x200] =	vst v2  }
0x112: {  	v2 =	vld [tilespmem:s19+$0x18F50];
	[tilespmem:s26+$0xFFFFFF80] =	vst v1  }
0x113: {  	v1 =	vld [tilespmem:s14+$0x18F50];
	[tilespmem:s26+$0xC0] =	vst v5  }
0x114: {  	[tilespmem:s26+$0xFFFFFE40] =	vst v4;
	v58 =	vld [tilespmem:s0+$0x18F50]  }
0x115: {  	[tilespmem:s22+$0xFFFFFFA0] =	vst v3;
	v3 =	vld [tilespmem:s13+$0x18F50]  }
0x116: {  	v60 =	vld [tilespmem:s25+$0x18F70];
	[tilespmem:s22+$0xFFFFFE60] =	vst v59  }
0x117: {  	v6 =	vld [tilespmem:s23+$0x18F60];
	[tilespmem:s26+$0x210] =	vst v2  }
0x118: {  	v2 =	vld [tilespmem:s19+$0x18F60];
	[tilespmem:s26+$0xFFFFFF90] =	vst v1  }
0x119: {  	[tilespmem:s26+$0xD0] =	vst v58;
	v1 =	vld [tilespmem:s14+$0x18F60]  }
0x11a: {  	[tilespmem:s26+$0xFFFFFE50] =	vst v3;
	v3 =	vld [tilespmem:s0+$0x18F60]  }
0x11b: {  	[tilespmem:s22+$0xFFFFFFB0] =	vst v60;
	v61 =	vld [tilespmem:s13+$0x18F60]  }
0x11c: {  	v63 =	vld [tilespmem:s24+$0x18F70];
	[tilespmem:s22+$0xE0] =	vst v6  }
0x11d: {  	v62 =	vld [tilespmem:s23+$0x18F70];
	[tilespmem:s26+$0x220] =	vst v2  }
0x11e: {  	v2 =	vld [tilespmem:s19+$0x18F70];
	[tilespmem:s26+$0xFFFFFFA0] =	vst v1  }
0x11f: {  	[tilespmem:s26+$0xE0] =	vst v3;
	v1 =	vld [tilespmem:s14+$0x18F70]  }
0x120: {  	[tilespmem:s26+$0xFFFFFE60] =	vst v61;
	v3 =	vld [tilespmem:s0+$0x18F70]  }
0x121: {  	s21 =	sadd.s32 $0x1, s21;
	[tilespmem:s22+$0xFFFFFE70] =	vst v63;
	v4 =	vld [tilespmem:s13+$0x18F70]  }
0x122: {  	p1 =	sne.s32 s21, $0x19;
	s31 =	smul.u32 $0x28000, s28;
	[tilespmem:s22+$0xF0] =	vst v62  }
.Ltmp2:
0x123: {  	s30 =	sadd.s32 s9, s29;
	[tilespmem:s26+$0x230] =	vst v2;
	(pc) =	sbr.rel @p1 .LBB2_4-.Ltmp2, $4  }
0x124: {  	s0 =	smul.u32 $0x28, s30;
	[tilespmem:s26+$0xFFFFFFB0] =	vst v1  }
0x125: {  	s20 =	sadd.s32 $0x280, s20;
	s1 =	sshrl.u32 s31, $0x2;
	[tilespmem:s26+$0xF0] =	vst v3  }
0x126: {  	p0 =	por !p0, !p0;
	s1 =	sadd.s32 $0x3E80, s1;
	s0 =	sadd.s32 s8, s0;
	[tilespmem:s26+$0xFFFFFE70] =	vst v4  }
0x127: {  	[hbm4b:s0+s2] =	stream.linear.scatter [tilespmem:s1], [sflag:$0x1], $0xA000, $0x38;
	[tilespmem:$0x19140] =	vst v63  }
0x128: {  	s1 =	simm.s32 $0x1  }
0x129: {  	_ =	swait.ge [sflag:s1], $0xA000  }
0x12a: {  	[sflag:s1] =	ssyncset.done $0x0  }
0x12b: {  	[sflag:s1] =	ssyncadd.s32 $0xFFFF6000  }
0x12c: {  	_ =	swait.ge [sflag:s1], $0xA000  }
0x12d: {  	s3 =	rddreg [dreg:$0x9]  }
0x12e: {  	s0 =	rddreg [dreg:$0x8];
	s3 =	sadd.s32 $0x1, s3  }
0x12f: {  	p0 =	sne.s32 s3, s0  }
.Ltmp3:
0x130: {  	_ = 	snop;
	(pc) =	sbr.rel @p0 .LBB2_1-.Ltmp3, $3  }
0x131: {  	_ =	sdelay $0x1  }
0x132: {  	[sflag:s1] =	ssyncset.done $0x0  }
0x133: {  	[sflag:s1] =	ssyncadd.s32 $0xFFFF6000  }
0x134: {  	_ =	sfence.sel $0x180000  }
0x135: {  	[bflag:$0x0] =	sbarrier.arrive $0xFFFF  }
0x136: {  	_ =	strace $0x90000047  }
0x137: {  	s0 =	stileid.u32;
	[bflag:$0x2] =	sbarrier.arrive $0xFFFF  }
0x138: {  	p0 =	sne.s32 s0, $0x0;
	s0 =	rddreg [dreg:$0x1]  }
0x139: {  	s0 =	sadd.s32 @!p0 $0x100000, s0  }
0x13a: {  	[sflag:s0] =	ssyncadd.tile.s32 @!p0 $0x1;
	_ =	shalt  }
.Lfunc_end2:
_tile_overlayer_lowered:
.L_overlay_start_2:
0x13b: {  	(tag) =	ssettag $0x2  }
0x13c: {  	s0 =	rddreg [dreg:$0x0];
	s2 =	stileid.u32  }
0x13d: {  	s1 =	rddreg [dreg:$0x1];
	p0 =	sne.s32 s2, $0x0  }
0x13e: {  	s3 =	rddreg [dreg:$0x2];
	[bflag:$0x3] =	sbarrier.arrive $0xFFFF;
	s2 =	simm.s32 @!p0 $0x1C02  }
0x13f: {  	[timem:s3], [sflag:s2] =	dma.local @!p0 [hbm:s0], s1  }
0x140: {  	s0 =	simm.s32 @!p0 $0x2  }
0x141: {  	_ =	swait.ge @!p0 [sflag:s0], s1  }
0x142: {  	s1 =	ssub.s32 @!p0 $0x0, s1;
	[sflag:s0] =	ssyncset.done @!p0 $0x0  }
0x143: {  	[sflag:s0] =	ssyncadd.s32 @!p0 s1  }
0x144: {  	[bflag:$0x3] =	sbarrier.arrive $0xFFFF  }
0x145: {  	_ =	shalt  }

// kernel: sparse-core-data-format-call.cloned.1.call-start
scs
called_computation_lowered:
.L_overlay_start_0:
0x0: {  	s2 =	sld [smem:$0x3FD9]  }
0x1: {  	s3 =	sld [smem:$0x3FFE];
	_ =	sdelay $0x1  }
0x2: {  	s1 =	srdreg.scid  }
0x3: {  	s0 =	sand.u32 $0x1, s1  }
0x4: {  	s18 =	sshll.u32 s0, $0xA;
	s2 =	sadd.s32 s3, s2  }
0x5: {  	s2 =	sadd.s32 s2, s18  }
0x6: {  	[smem:$0x3FC2] =	sst s2  }
0x7: {  	_ = 	snop  }
0x8: {  	s2 =	sld [smem:$0x3FD0];
	(tm) =	ssettm $0x1  }
0x9: {  	s19 =	sld [smem:$0x3FFB];
	_ =	sdelay $0x3  }
0xa: {  	_ =	strace s19  }
0xb: {  	s3 =	sld [smem:$0x3FFC];
	_ =	sdelay $0x3  }
0xc: {  	_ =	strace s3  }
0xd: {  	s3 =	sld [smem:$0x3FFD];
	_ =	sdelay $0x3  }
0xe: {  	_ =	strace s3  }
0xf: {  	_ =	strace $0x8FFFFFFF  }
0x10: {  	s20 =	sld [smem:$0x3FDB];
	_ =	sdelay $0x1  }
0x11: {  	s4 =	simm.s32 $_scs_section_size  }
0x12: {  	s5 =	simm.s32 $_size__tile_overlayer_lowered;
	s6 =	simm.s32 $_tile_overlayer_lowered  }
0x13: {  	s23 =	simm.s32 $0x1BFF;
	s22 =	sshll.u32 s6, $0x1;
	s3 =	sadd.s32 s4, s20  }
0x14: {  	s7 =	simm.s32 $0x0;
	s21 =	sshll.u32 s5, $0x1;
	s5 =	sadd.s32 s22, s3  }
0x15: {  	[timem:s7], [sflag:s23] =	dma.local [hbm:s5], s21  }
0x16: {  	_ =	swait.ge [sflag:s23], s21  }
0x17: {  	s4 =	ssub.s32 $0x0, s21;
	[sflag:s23] =	ssyncset.done $0x0  }
0x18: {  	[sflag:s23] =	ssyncadd.s32 s4;
	_ =	sdelay $0x1  }
0x19: {  	s24 =	simm.s32 $0x1B8B  }
0x1a: {  	_ =	swait.ge [sflag:s24], $0x1  }
0x1b: {  	[sflag:s24] =	ssyncset.done $0x0  }
0x1c: {  	s26 =	simm.s32 $0x1B8E;
	s25 =	sld [smem:$0x3FFE];
	[sflag:s24] =	ssyncadd.s32 $0xFFFFFFFF  }
0x1d: {  	s27 =	simm.s32 $execute0_lowered;
	[smem:$0x3FD2] =	sst s26  }
0x1e: {  	s5 =	sshll.u32 s27, $0x1;
	_ =	strace $0x8000004C;
	[dreg:$0x1] =	wrdreg $0xFFFFFFFF  }
0x1f: {  	s28 =	simm.s32 $_size_execute0_lowered;
	s3 =	sadd.s32 s3, s5;
	[dreg:$0x0] =	wrdreg $0x0  }
0x20: {  	s5 =	sshll.u32 s28, $0x1;
	[dreg:$0x2] =	wrdreg s3  }
0x21: {  	[dreg:$0x3] =	wrdreg s5  }
0x22: {  	[dreg:$0x4] =	wrdreg $0xC0  }
0x23: {  	_ =	task [dreg:s7], $0x5FFFF  }
0x24: {  	[dreg:$0x1] =	wrdreg $0xFFFFFFFF  }
0x25: {  	[dreg:$0x0] =	wrdreg $0x60  }
0x26: {  	[dreg:$0x2] =	wrdreg s25  }
0x27: {  	[dreg:$0x3] =	wrdreg s2  }
0x28: {  	[dreg:$0x4] =	wrdreg $0x9  }
0x29: {  	_ =	task.clear_ibuf [dreg:s7], $0x5FFFF;
	_ =	strace $0x9000004C  }
0x2a: {  	s29 =	simm.s32 $0x9;
	_ =	strace $0x8000004E  }
0x2b: {  	_ =	swait.ge [sflag:s29], $0x1  }
0x2c: {  	[sflag:s29] =	ssyncadd.s32 $0xFFFFFFFF  }
0x2d: {  	_ =	strace $0x9000004E  }
0x2e: {  	_ =	sfence  }
0x2f: {  	s30 =	sld [smem:$0x0];
	_ =	sdelay $0x2  }
0x30: {  	s31 =	sshll.u32 s1, $0xD;
	s1 =	sshrl.u32 s1, $0x2  }
0x31: {  	s3 =	sand.u32 $0x4000, s31;
	s1 =	sadd.s32 s1, s30  }
0x32: {  	s0 =	sor.u32 s3, s0;
	s1 =	sshll.u32 s1, $0x11  }
0x33: {  	s0 =	sor.u32 s1, s0  }
0x34: {  	s0 =	sadd.s32 $0x8F2B, s0  }
0x35: {  	[sflag:s0] =	ssyncadd.remote.s32 $0x1  }
0x36: {  	_ =	sfence.sel $0xFFFF  }
0x37: {  	[dreg:$0x0] =	wrdreg $0xFFFFFFFF;
	(pc) =	sbr.abs _section_cstart, $3  }
0x38: {  	[dreg:$0x1] =	wrdreg $0xFFFFFFFF  }
0x39: {  	_ =	task.clear_ibuf [dreg:s7], $0x2FFFF;
	_ =	strace $0x9FFFFFFF  }
0x3a: {  	(tm) =	ssettm $0x7FFFFFFF  }
0x3b: {  	_ =	shalt  }
tec
execute0_lowered:
.L_overlay_start_1:
0x0: {  	(tag) =	ssettag $0x1  }
0x1: {  	s0 =	srdreg.scid;
	s6 =	rddreg [dreg:$0x0]  }
0x2: {  	s3 =	rddreg [dreg:$0x1];
	s1 =	sshll.u32 s0, $0x4  }
0x3: {  	s5 =	simm.s32 $0x1;
	s0 =	stileid.u32;
	s1 =	sand.u32 $0x10, s1  }
0x4: {  	s31 =	simm.s32 $0x2;
	s16 =	simm.s32 $0x0;
	s1 =	sor.u32 s0, s1  }
0x5: {  	s8 =	simm.s32 $0x8000;
	s18 =	simm.s32 $0x0;
	s2 =	sshll.u32 s1, $0x7  }
0x6: {  	s17 =	simm.s32 $0x0;
	s9 =	simm.s32 $0x0;
	s4 =	ssub.s32 $0x1000, s2  }
0x7: {  	s10 =	simm.s32 $0x0;
	s11 =	simm.s32 $0x0;
	s30 =	sand.u32 $0xF80, s4  }
0x8: {  	s12 =	simm.s32 $0x0;
	s13 =	simm.s32 $0x0;
	p0 =	sne.s32 s30, $0x0  }
.Ltmp0:
0x9: {  	s7 =	sshrl.u32 s4, $0xC;
	s5 =	simm.s32 @!p0 $0x0;
	(pc) =	sbr.rel .LBB1_1-.Ltmp0, $4  }
0xa: {  	s15 =	simm.s32 $0x0;
	s1 =	rddreg [dreg:$0x2];
	s5 =	sadd.s32 s5, s7  }
0xb: {  	_ =	strace $0x8000004D;
	s4 =	simm.s32 $0x1;
	s5 =	smul.u32 $0x96, s5  }
0xc: {  	s6 =	sadd.s32 $0xD30E00, s6;
	s14 =	smov.u32 s2;
	[sflag:s4] =	ssyncpa.u1 $0x0  }
0xd: {  	[sflag:s31] =	ssyncpa.u1 $0x0;
	p0 =	por $0x0, $0x0;
	s7 =	sor.u32 $0x1, s5  }
.LBB1_4:
0xe: {  	s23 =	sshra.s32 s23, $0x2;
	s30 =	sshll.u32 s9, $0xC  }
0xf: {  	p1 =	sgt.s32 s10, $0x31;
	s24 =	smov.u32 s10;
	s25 =	sshra.s32 s10, $0x1F  }
0x10: {  	s26 =	sshll.u32 s11, $0x3;
	s28 =	smov.u32 s11;
	s29 =	sshra.s32 s11, $0x1F  }
0x11: {  	s22 =	sadd.s32 s23, s22;
	s24 =	simm.s32 @!p1 $0x31;
	s25 =	sand.u32 s25, s10  }
0x12: {  	s23 =	sand.u32 $0xFFFF8000, s30;
	s27 =	sand.u32 $0xFFFFFC00, s26;
	p1 =	sgt.s32 s9, $0xC0  }
0x13: {  	s31 =	sand.u32 s29, s11;
	s29 =	sshll.u32 s9, $0x7;
	s30 =	sshra.s32 s9, $0x1F  }
0x14: {  	[tilespmem:s21+$0x2040 ss:$0x81] =	vst.msk $0xffff, v4;
	s24 =	ssub.s32 s24, s25;
	s23 =	sadd.s32 s27, s23;
	s27 =	smov.u32 s9  }
0x15: {  	[tilespmem:s21+$0x2850 ss:$0x81] =	vst.msk $0xffff, v3;
	s29 =	sand.u32 $0x380, s29;
	s25 =	sadd.s32 $0xFFFFFFCF, s24;
	s27 =	simm.s32 @!p1 $0xC0  }
0x16: {  	v5 =	vld [tilespmem:s20+$0xFFFFFFD0];
	[tilespmem:s21+$0x3060 ss:$0x81] =	vst.msk $0xffff, v2;
	p1 =	sgt.s32 s11, $0xF80;
	s23 =	sshrl.u32 s23, $0xC;
	s24 =	ssub.s32 $0x32, s24  }
0x17: {  	v58 =	vld [tilespmem:s20+$0xFFFFFFE0];
	[tilespmem:s21+$0x0 ss:$0x81] =	vst.msk $0xffff, v1;
	s28 =	simm.s32 @!p1 $0xF80;
	p1 =	sgt.s32 s25, $0x0;
	s21 =	smulhi.u32 $0xCCCCCD, s23  }
0x18: {  	v59 =	vld [tilespmem:s20+$0xFFFFFFF0];
	s25 =	ssub.s32 s28, s31;
	s28 =	sand.u32 s30, s9;
	s24 =	simm.s32 @p1 $0x0  }
0x19: {  	v60 =	vld [tilespmem:s20+$0x0];
	s27 =	ssub.s32 s27, s28;
	s31 =	sadd.s32 $0xFFFFF080, s25;
	s25 =	ssub.s32 $0x1000, s25  }
0x1a: {  	v61 =	vld [tilespmem:s20+$0x10];
	[tilespmem:s22+$0x3870 ss:$0x81] =	vst.msk $0xffff, v0;
	s21 =	smul.u32 $0x140, s21;
	s28 =	sand.u32 $0x7, s11;
	p1 =	sgt.s32 s31, $0x7F  }
0x1b: {  	v62 =	vld [tilespmem:s20+$0x20];
	[tilespmem:s22+$0x810 ss:$0x81] =	vst.msk $0xffff, v5;
	s30 =	sadd.s32 $0xFFFFFF40, s27;
	s31 =	sand.u32 $0x78, s11;
	s25 =	simm.s32 @p1 $0x0  }
0x1c: {  	v63 =	vld [tilespmem:s20+$0xFFFFFFC0];
	[tilespmem:s22+$0x1020 ss:$0x81] =	vst.msk $0xffff, v58;
	p1 =	sgt.s32 s30, $0x7F;
	s30 =	sand.u32 $0xC00, s26;
	s24 =	smul.u32 s25, s24  }
0x1d: {  	[tilespmem:s22+$0x1830 ss:$0x81] =	vst.msk $0xffff, v59;
	s26 =	ssub.s32 $0x140, s27;
	s20 =	sor.u32 s31, s30;
	s31 =	smul.u32 $0x28000, s10  }
0x1e: {  	[tilespmem:s22+$0x2040 ss:$0x81] =	vst.msk $0xffff, v60;
	s21 =	ssub.s32 s23, s21;
	s26 =	simm.s32 @p1 $0x0;
	s20 =	sor.u32 s29, s20  }
0x1f: {  	[tilespmem:s22+$0x2850 ss:$0x81] =	vst.msk $0xffff, v61;
	s26 =	smul.u32 s26, s24;
	s20 =	sshrl.u32 s20, $0x3;
	s27 =	sadd.s32 s3, s31  }
0x20: {  	[tilespmem:s22+$0x3060 ss:$0x81] =	vst.msk $0xffff, v62;
	s21 =	sshll.u32 s21, $0x9;
	s29 =	sshll.u32 s28, $0x12;
	s20 =	sadd.s32 s20, s27  }
0x21: {  	[tilespmem:s22+$0x0 ss:$0x81] =	vst.msk $0xffff, v63;
	s31 =	sor.u32 $0x400, s29;
	s30 =	sand.u32 $0x3FFFFFFF, s26;
	s20 =	sadd.s32 s21, s20  }
0x22: {  	[hbm4b:s20+s31] =	stream.strided.scatter [tilespmem:s19], [sflag:$0x2], s30, s8, s31, $0x20;
	[tilespmem:$0x10100] =	vst v63  }
.LBB1_5:
0x23: {  	p1 =	slt.u32 s15, $0x2  }
0x24: {  	p2 =	sgt.s32 @!p1 s18, $0x31  }
0x25: {  	s19 =	smov.u32 s18;
	s20 =	sshra.s32 @!p1 s18, $0x1F;
	p2 =	por !p2, p1  }
0x26: {  	s18 =	sand.u32 @!p1 s20, s18;
	s19 =	simm.s32 @p2 $0x31  }
0x27: {  	p3 =	sgt.s32 @!p1 s16, $0xC0;
	s18 =	ssub.s32 @!p1 s19, s18  }
0x28: {  	p4 =	sgt.s32 @!p1 s17, $0xF80;
	s21 =	sshra.s32 @!p1 s17, $0x1F;
	s19 =	sadd.s32 @!p1 $0xFFFFFFCF, s18  }
0x29: {  	s20 =	smov.u32 s16;
	p2 =	sgt.s32 @!p1 s19, $0x0;
	s19 =	sshra.s32 @!p1 s16, $0x1F  }
0x2a: {  	p4 =	por !p4, p1;
	s16 =	sand.u32 @!p1 s19, s16;
	s19 =	smov.u32 s17  }
0x2b: {  	p3 =	por !p3, p1;
	s17 =	sand.u32 @!p1 s21, s17;
	s19 =	simm.s32 @p4 $0xF80  }
0x2c: {  	s20 =	simm.s32 @p3 $0xC0;
	s18 =	ssub.s32 @!p1 $0x32, s18;
	s17 =	ssub.s32 @!p1 s19, s17  }
0x2d: {  	p2 =	por !p2, p1;
	s16 =	ssub.s32 @!p1 s20, s16;
	s20 =	sadd.s32 @!p1 $0xFFFFF080, s17  }
0x2e: {  	s18 =	simm.s32 @!p2 $0x0;
	p3 =	sgt.s32 @!p1 s20, $0x7F  }
0x2f: {  	s19 =	sadd.s32 @!p1 $0xFFFFFF40, s16;
	s17 =	ssub.s32 @!p1 $0x1000, s17;
	p3 =	por !p3, p1  }
0x30: {  	p2 =	sgt.s32 @!p1 s19, $0x7F;
	s19 =	sadd.s32 $0x80, s12;
	s17 =	simm.s32 @!p3 $0x0  }
0x31: {  	p3 =	sgt.s32 s19, $0x13F;
	s17 =	smul.u32 @!p1 s17, s18;
	s18 =	simm.s32 $0x1  }
0x32: {  	s16 =	ssub.s32 @!p1 $0x140, s16;
	p2 =	por !p2, p1;
	s18 =	simm.s32 @!p3 $0x0  }
0x33: {  	s21 =	smov.u32 s14;
	s16 =	simm.s32 @!p2 $0x0;
	s20 =	sadd.s32 s18, s13  }
0x34: {  	s16 =	smul.u32 @!p1 s16, s17;
	s17 =	sadd.s32 $0x1000, s14;
	p2 =	sgt.s32 s20, $0x31  }
0x35: {  	p0 =	por !p0, !p0;
	s22 =	simm.s32 @!p1 $0x2;
	s21 =	smov.u32 @p2 s17  }
0x36: {  	s19 =	simm.s32 @p3 $0x0;
	s20 =	simm.s32 @p2 $0x0;
	p2 =	sgt.s32 s21, $0xFFF  }
0x37: {  	s18 =	smov.u32 s10;
	s21 =	smov.u32 @p2 s2;
	p2 =	sne.s32 s15, s7  }
.Ltmp1:
0x38: {  	s10 =	smov.u32 s13;
	s16 =	sand.u32 @!p1 $0x3FFFFFFF, s16;
	(pc) =	sbr.rel @!p2 .LBB1_6-.Ltmp1, $4  }
0x39: {  	s17 =	smov.u32 s11;
	s11 =	smov.u32 s14;
	_ =	swait.ge @!p1 [sflag:s22], s16  }
0x3a: {  	s23 =	ssub.s32 @!p1 $0x0, s16;
	s16 =	smov.u32 s9;
	s9 =	smov.u32 s12  }
0x3b: {  	s12 =	smov.u32 s19;
	s13 =	smov.u32 s20;
	[sflag:s22] =	ssyncset.done @!p1 $0x0  }
0x3c: {  	s15 =	sadd.s32 $0x1, s15;
	[sflag:s22] =	ssyncadd.s32 @!p1 s23;
	s14 =	smov.u32 s21  }
.LBB1_1:
0x3d: {  	p1 =	sge.u32 s15, s5  }
0x3e: {  	s19 =	sshrl.u32 @!p1 s13, $0x3  }
0x3f: {  	s20 =	sshll.u32 @!p1 s12, $0x3;
	s19 =	smul.u32 @!p1 $0xC00, s19  }
0x40: {  	s21 =	sshll.u32 @!p1 s13, $0x7;
	s20 =	sand.u32 @!p1 $0xFFFFFC00, s20  }
0x41: {  	s19 =	sadd.s32 @!p1 s19, s20;
	s20 =	sand.u32 @!p1 $0x380, s21  }
0x42: {  	s19 =	sor.u32 @!p1 s20, s19  }
0x43: {  	s20 =	sand.u32 @!p1 $0x7F, s12;
	s21 =	smulhi.u32 @!p1 $0xAAAAAAAB, s19  }
0x44: {  	s19 =	sor.u32 @!p1 s20, s19  }
0x45: {  	s20 =	smulhi.u32 @!p1 $0xAAAAAAAB, s19;
	s21 =	sshrl.u32 @!p1 s21, $0x8  }
0x46: {  	s22 =	smulhi.u32 @!p1 $0x4924925, s21;
	_ =	sdelay $0x1  }
0x47: {  	s20 =	sshrl.u32 @!p1 s20, $0x8;
	s22 =	smul.u32 @!p1 $0x38, s22  }
0x48: {  	s31 =	sadd.s32 $0xFFFFFFFF, s15;
	s20 =	smul.u32 @!p1 $0x180, s20  }
0x49: {  	s23 =	sxor.u32 @!p1 $0xFFFFFFFF, s15;
	s21 =	ssub.s32 @!p1 s21, s22;
	s22 =	smul.u32 @!p1 $0xA80, s14  }
0x4a: {  	s23 =	sshll.u32 @!p1 s23, $0xE;
	s19 =	ssub.s32 @!p1 s19, s20;
	s20 =	smul.u32 @!p1 $0x30, s21  }
0x4b: {  	s21 =	sand.u32 @!p1 $0x4000, s23;
	s23 =	sand.u32 @!p1 $0x7, s19;
	s22 =	sadd.s32 @!p1 s6, s22  }
0x4c: {  	s19 =	sshrl.u32 @!p1 s19, $0x3;
	s20 =	sadd.s32 @!p1 s20, s22;
	s22 =	sshll.u32 @!p1 s23, $0x12  }
0x4d: {  	s19 =	sadd.s32 @!p1 s19, s20;
	s20 =	sor.u32 @!p1 $0x80, s22;
	s22 =	simm.s32 @!p1 $0x5400  }
0x4e: {  	[tilespmem:s21], [sflag:$0x1] =	stream.strided.gather @!p1 [hbm4b:s19+s20], $0x4000, s22, s20, $0x38;
	[tilespmem:$0x10100] =	vst v63  }
0x4f: {  	p1 =	sge.u32 s31, s5  }
.Ltmp2:
0x50: {  	_ = 	snop;
	(pc) =	sbr.rel @p1 .LBB1_5-.Ltmp2, $1  }
0x51: {  	_ =	sdelay $0x3  }
0x52: {  	s19 =	simm.s32 $0x1  }
0x53: {  	_ =	swait.ge [sflag:s4], $0x4000;
	s19 =	simm.s32 @!p0 $0x0  }
0x54: {  	[sflag:s4] =	ssyncset.done $0x0;
	s20 =	sshll.u32 s19, $0xE  }
0x55: {  	[sflag:s4] =	ssyncadd.s32 $0xFFFFC000;
	s20 =	sor.u32 $0x40, s20  }
0x56: {  	s19 =	smul.u32 $0x10200, s19;
	v0 =	vld [tilespmem:s20+$0x30]  }
0x57: {  	v1 =	vld [tilespmem:s20+$0xFFFFFFD0]  }
0x58: {  	s19 =	sshrl.u32 s19, $0x2;
	v5 =	vld [tilespmem:s20+$0xFFFFFFE0]  }
0x59: {  	v6 =	vld [tilespmem:s20+$0xFFFFFFF0];
	s22 =	sor.u32 $0x8000, s19  }
0x5a: {  	s31 =	sand.u32 $0x1, s15;
	v4 =	vld [tilespmem:s20+$0x0];
	s21 =	sadd.s32 $0x0, s22  }
0x5b: {  	v3 =	vld [tilespmem:s20+$0x10];
	s19 =	smul.u32 $0x10200, s31;
	[tilespmem:s21+$0x3870 ss:$0x81] =	vst.msk $0xffff, v0  }
0x5c: {  	v2 =	vld [tilespmem:s20+$0x20];
	[tilespmem:s21+$0x810 ss:$0x81] =	vst.msk $0xffff, v1  }
0x5d: {  	s19 =	sshrl.u32 s19, $0x2;
	v1 =	vld [tilespmem:s20+$0xFFFFFFC0];
	[tilespmem:s21+$0x1020 ss:$0x81] =	vst.msk $0xffff, v5;
	s20 =	sadd.s32 $0x80, s20  }
0x5e: {  	s23 =	simm.s32 $0x4;
	s24 =	simm.s32 $0x8;
	s19 =	sor.u32 $0x8000, s19;
	[tilespmem:s21+$0x1830 ss:$0x81] =	vst.msk $0xffff, v6;
	v0 =	vld [tilespmem:s20+$0x30]  }
.LBB1_3:
0x5f: {  	p1 =	sne.s32 s24, $0x1FC;
	v5 =	vld [tilespmem:s20+$0xFFFFFFD0];
	[tilespmem:s21+$0x2040 ss:$0x81] =	vst.msk $0xffff, v4  }
0x60: {  	v6 =	vld [tilespmem:s20+$0xFFFFFFE0];
	[tilespmem:s21+$0x2850 ss:$0x81] =	vst.msk $0xffff, v3  }
0x61: {  	s25 =	sshra.s32 s23, $0x2;
	s23 =	smov.u32 s24;
	v7 =	vld [tilespmem:s20+$0xFFFFFFF0];
	[tilespmem:s21+$0x3060 ss:$0x81] =	vst.msk $0xffff, v2  }
.Ltmp3:
0x62: {  	v4 =	vld [tilespmem:s20+$0x0];
	[tilespmem:s21+$0x0 ss:$0x81] =	vst.msk $0xffff, v1;
	s21 =	sadd.s32 s25, s22;
	(pc) =	sbr.rel @p1 .LBB1_3-.Ltmp3, $4  }
0x63: {  	v3 =	vld [tilespmem:s20+$0x10];
	[tilespmem:s21+$0x3870 ss:$0x81] =	vst.msk $0xffff, v0  }
0x64: {  	[tilespmem:s21+$0x810 ss:$0x81] =	vst.msk $0xffff, v5;
	v2 =	vld [tilespmem:s20+$0x20]  }
0x65: {  	v1 =	vld [tilespmem:s20+$0xFFFFFFC0];
	[tilespmem:s21+$0x1020 ss:$0x81] =	vst.msk $0xffff, v6;
	s20 =	sadd.s32 $0x80, s20  }
0x66: {  	s24 =	sadd.s32 $0x4, s24;
	v0 =	vld [tilespmem:s20+$0x30];
	[tilespmem:s21+$0x1830 ss:$0x81] =	vst.msk $0xffff, v7  }
.Ltmp4:
0x67: {  	_ = 	snop;
	(pc) =	sbr.rel .LBB1_4-.Ltmp4, $1  }
0x68: {  	_ =	sdelay $0x3  }
.LBB1_6:
0x69: {  	_ =	sfence.sel $0x180000  }
0x6a: {  	s2 =	simm.s32 $0x1;
	[bflag:$0x0] =	sbarrier.arrive $0xFFFF  }
0x6b: {  	s31 =	simm.s32 $0x2;
	[sflag:s2] =	ssyncpa.u1 $0x1  }
0x6c: {  	[sflag:s31] =	ssyncpa.u1 $0x1  }
0x6d: {  	p0 =	sne.s32 s0, $0x0;
	_ =	strace $0x9000004D  }
0x6e: {  	s0 =	sadd.s32 @!p0 $0x100000, s1;
	[bflag:$0x2] =	sbarrier.arrive $0xFFFF  }
0x6f: {  	[sflag:s0] =	ssyncadd.tile.s32 @!p0 $0x1;
	_ =	shalt  }
.Lfunc_end1:
_tile_overlayer_lowered:
.L_overlay_start_2:
0x70: {  	(tag) =	ssettag $0x2  }
0x71: {  	s0 =	rddreg [dreg:$0x0];
	s2 =	stileid.u32  }
0x72: {  	s1 =	rddreg [dreg:$0x1];
	p0 =	sne.s32 s2, $0x0  }
0x73: {  	s3 =	rddreg [dreg:$0x2];
	[bflag:$0x3] =	sbarrier.arrive $0xFFFF;
	s2 =	simm.s32 @!p0 $0x1C01  }
0x74: {  	[timem:s3], [sflag:s2] =	dma.local @!p0 [hbm:s0], s1  }
0x75: {  	s0 =	simm.s32 @!p0 $0x1  }
0x76: {  	_ =	swait.ge @!p0 [sflag:s0], s1  }
0x77: {  	s1 =	ssub.s32 @!p0 $0x0, s1;
	[sflag:s0] =	ssyncset.done @!p0 $0x0  }
0x78: {  	[sflag:s0] =	ssyncadd.s32 @!p0 s1  }
0x79: {  	[bflag:$0x3] =	sbarrier.arrive $0xFFFF  }
0x7a: {  	_ =	shalt  }

</sc_bundles>
